<compile_context>
chip_gen: v7x
topology: tpu7x:2x2x1
jax: 0.10.2.dev20260603
libtpu: 0.0.44.dev20260713+nightly
codegen_flags: <defaults>
</compile_context>

<pallas_src>
import functools

import jax
import jax.numpy as jnp
from jax import lax
from jax.experimental import pallas as pl
from jax.experimental.pallas import tpu as pltpu
from jax.experimental.pallas import tpu_sc as plsc

B = 16384
D = 16
NW = 32
BPW = B // NW
CH = 128
NCH = BPW // CH
PG = 8
PR = B // PG
EPS = 1e-5
HID = (64, 32, 16, 8)


def _gather_body(bat_idx, bwl_idx, bat_tab, bwl_tab, bat_out, bwl_out,
                 idx_v, rows_bat, rows_bwl, sem_bat, sem_bwl):
    c = lax.axis_index("c")
    s = lax.axis_index("s")
    wid = s * 2 + c
    irow = wid * NCH
    pltpu.sync_copy(bat_idx.at[pl.ds(irow, NCH)], idx_v.at[0])
    pltpu.sync_copy(bwl_idx.at[pl.ds(irow, NCH)], idx_v.at[1])
    copies = []
    for t, (rows, sem) in enumerate(((rows_bat, sem_bat), (rows_bwl, sem_bwl))):
        tab = bat_tab if t == 0 else bwl_tab
        for j in range(NCH):
            copies.append(
                pltpu.async_copy(tab.at[idx_v.at[t, j]],
                                 rows.at[pl.ds(j * CH, CH)], sem))
    row0 = (wid % 4) * BPW
    grp = (wid // 4) * D
    for t, (rows, dst) in enumerate(((rows_bat, bat_out), (rows_bwl, bwl_out))):
        for cp in copies[t * NCH:(t + 1) * NCH]:
            cp.wait()
        pltpu.sync_copy(rows, dst.at[pl.ds(row0, BPW), pl.ds(grp, D)])


@functools.cache
def _make_gather():
    return pl.kernel(
        _gather_body,
        out_type=(jax.ShapeDtypeStruct((PR, PG * D), jnp.float32),
                  jax.ShapeDtypeStruct((PR, PG * D), jnp.float32)),
        mesh=plsc.VectorSubcoreMesh(core_axis_name="c", subcore_axis_name="s"),
        scratch_types=[
            pltpu.VMEM((2, NCH, CH), jnp.int32),
            pltpu.VMEM((BPW, D), jnp.float32),
            pltpu.VMEM((BPW, D), jnp.float32),
            pltpu.SemaphoreType.DMA,
            pltpu.SemaphoreType.DMA,
        ],
        compiler_params=pltpu.CompilerParams(use_tc_tiling_on_sc=False),
    )


NT = 100001
TB = 8192
GB = (NT + TB - 1) // TB
PKR = GB * TB // PG
G8 = TB // PG


def _pack_body(bat_t, bwl_t, bat_o, bwl_o):
    for src, dst in ((bat_t, bat_o), (bwl_t, bwl_o)):
        y = src[...].T
        dst[...] = jnp.concatenate(
            [y[G8 * s:G8 * (s + 1), :] for s in range(PG)], axis=1)


_pack = pl.pallas_call(
    _pack_body,
    grid=(GB,),
    in_specs=[pl.BlockSpec((D, TB), lambda i: (0, i))] * 2,
    out_specs=[pl.BlockSpec((G8, PG * D), lambda i: (i, 0))] * 2,
    out_shape=(jax.ShapeDtypeStruct((PKR, PG * D), jnp.float32),) * 2,
)


def _mlp_body(bat_p, bwl_p, num_t, w0a, w0b, w0c, g0, be0,
              w1, g1, be1, w2, g2, be2, w3, g3, be3, w4, b4, out):
    f32 = jnp.float32
    x = jnp.concatenate([num_t[...], jnp.zeros((1, B), f32)], axis=0)

    def bn_relu(parts, g, be):
        s1 = parts[0].sum(0, keepdims=True)
        s2 = (parts[0] * parts[0]).sum(0, keepdims=True)
        for p in parts[1:]:
            s1 = s1 + p.sum(0, keepdims=True)
            s2 = s2 + (p * p).sum(0, keepdims=True)
        m = s1 * (1.0 / B)
        var = s2 * (1.0 / B) - m * m
        scale = g[...] * lax.rsqrt(var + EPS)
        shift = be[...] - m * scale
        return [jnp.maximum(p * scale + shift, 0.0) for p in parts]

    z = [jnp.dot(bat_p[:, D * k:D * (k + 1)], w0a[...],
                 preferred_element_type=f32)
         + jnp.dot(bwl_p[:, D * k:D * (k + 1)], w0b[...],
                   preferred_element_type=f32)
         + jnp.dot(x[:, PR * k:PR * (k + 1)].T, w0c[...],
                   preferred_element_type=f32)
         for k in range(PG)]
    h = bn_relu(z, g0, be0)
    for w, g, be in ((w1, g1, be1), (w2, g2, be2), (w3, g3, be3)):
        z = [jnp.dot(p, w[...], preferred_element_type=f32) for p in h]
        h = bn_relu(z, g, be)
    z5 = [jnp.dot(p, w4[...], preferred_element_type=f32) for p in h]
    out[...] = jnp.concatenate([p.T for p in z5], axis=0) + b4[...]


_mlp = pl.pallas_call(
    _mlp_body,
    out_shape=jax.ShapeDtypeStruct((PG, PR), jnp.float32),
    compiler_params=pltpu.CompilerParams(vmem_limit_bytes=100 * 1024 * 1024),
)


def kernel(batsman_idx, bowler_idx, numeric, bat_table, bwl_table,
           W0, b0, g0, be0, W1, b1, g1, be1, W2, b2, g2, be2,
           W3, b3, g3, be3, W4, b4):
    def _f(i):
        i = i.astype(jnp.int32)
        return ((i >> 13) << 13) | ((i & (G8 - 1)) << 3) | ((i >> 10) & 7)

    bat_idx = _f(batsman_idx).reshape(B // CH, CH)
    bwl_idx = _f(bowler_idx).reshape(B // CH, CH)
    bat_pk, bwl_pk = _pack(bat_table.T, bwl_table.T)
    bat_p, bwl_p = _make_gather()(
        bat_idx, bwl_idx,
        bat_pk.reshape(PKR * PG, D), bwl_pk.reshape(PKR * PG, D))
    w0c = jnp.pad(W0[:, 2 * D:].T, ((0, 1), (0, 0)))
    args = (bat_p, bwl_p, numeric.T,
            W0[:, :D].T, W0[:, D:2 * D].T, w0c,
            g0.reshape(1, -1), be0.reshape(1, -1),
            W1.T, g1.reshape(1, -1), be1.reshape(1, -1),
            W2.T, g2.reshape(1, -1), be2.reshape(1, -1),
            W3.T, g3.reshape(1, -1), be3.reshape(1, -1),
            W4.T, b4.reshape(1, 1))
    return _mlp(*args).reshape(B)

# --- scband reference (transcript-rebuilt; emitter-appended) ---
"""Pipeline reference for scband-cricket-model-87720412054091 (READ-ONLY COPY).

The authoritative reference and input builder live on the scoring server;
editing this copy changes nothing except your own understanding.
"""

import jax, jax.numpy as jnp
import numpy as np

B = 16384
V = 100000
D = 16
NUM = 7
HID = [64, 32, 16, 8]


def setup_inputs(seed: int = 0) -> dict:
    key = jax.random.key(seed)
    ks = jax.random.split(key, 24)
    inp = {}
    inp["batsman_idx"] = jax.random.randint(ks[0], (B,), 0, V + 1)
    inp["bowler_idx"] = jax.random.randint(ks[1], (B,), 0, V + 1)
    inp["numeric"] = jax.random.normal(ks[2], (B, NUM), dtype=jnp.float32)
    inp["bat_table"] = jax.random.normal(ks[3], (V + 1, D), dtype=jnp.float32)
    inp["bwl_table"] = jax.random.normal(ks[4], (V + 1, D), dtype=jnp.float32)
    dims = [2 * D + NUM] + HID + [1]
    kidx = 5
    for i in range(len(dims) - 1):
        inp[f"W{i}"] = jax.random.normal(ks[kidx], (dims[i + 1], dims[i]), dtype=jnp.float32) / np.sqrt(dims[i])
        kidx += 1
        inp[f"b{i}"] = jnp.zeros((dims[i + 1],), dtype=jnp.float32)
        if i < len(HID):
            inp[f"g{i}"] = jnp.ones((dims[i + 1],), dtype=jnp.float32)
            inp[f"be{i}"] = jnp.zeros((dims[i + 1],), dtype=jnp.float32)
    return inp


def _bn(x, g, b, eps=1e-5):
    m = jnp.mean(x, axis=0)
    v = jnp.var(x, axis=0)
    return (x - m) / jnp.sqrt(v + eps) * g + b


def reference(batsman_idx, bowler_idx, numeric, bat_table, bwl_table,
              W0, b0, g0, be0, W1, b1, g1, be1, W2, b2, g2, be2,
              W3, b3, g3, be3, W4, b4):
    bat_emb = jnp.take(bat_table, batsman_idx, axis=0)
    bwl_emb = jnp.take(bwl_table, bowler_idx, axis=0)
    x = jnp.concatenate([bat_emb, bwl_emb, numeric], axis=1)
    for W, b, g, be in [(W0, b0, g0, be0), (W1, b1, g1, be1), (W2, b2, g2, be2), (W3, b3, g3, be3)]:
        x = x @ W.T + b
        x = _bn(x, g, be)
        x = jax.nn.relu(x)
    out = x @ W4.T + b4
    return out.squeeze(1)

if __name__ == "__main__":
    import jax
    _d = setup_inputs()
    print(jax.jit(kernel)(*tuple(_d.values())))

</pallas_src>

<mosaic_0001>
#map = affine_map<(d0, d1) -> (0, 0)>
module attributes {stable_mosaic.version = 14 : i64} {
  func.func @_gather_body(%arg0: i32, %arg1: i32, %arg2: memref<128x128xi32, #tpu.memory_space<hbm>>, %arg3: memref<128x128xi32, #tpu.memory_space<hbm>>, %arg4: memref<106496x16xf32, #tpu.memory_space<hbm>>, %arg5: memref<106496x16xf32, #tpu.memory_space<hbm>>, %arg6: memref<2048x128xf32, #tpu.memory_space<hbm>>, %arg7: memref<2048x128xf32, #tpu.memory_space<hbm>>, %arg8: memref<2x4x128xi32, #tpu.memory_space<vmem>>, %arg9: memref<512x16xf32, #tpu.memory_space<vmem>>, %arg10: memref<512x16xf32, #tpu.memory_space<vmem>>, %arg11: memref<!tpu.dma_semaphore, #tpu.memory_space<semaphore_mem>>, %arg12: memref<!tpu.dma_semaphore, #tpu.memory_space<semaphore_mem>>) attributes {dimension_semantics = [#tpu.dimension_semantics<core_parallel>, #tpu.dimension_semantics<subcore_parallel>], iteration_bounds = array<i64: 2, 16>, scalar_prefetch = 0 : i64, scratch_operands = 5 : i64, tpu.core_type = #tpu.core_type<sc_vector_subcore>, window_params = [{transform_indices = #map}, {transform_indices = #map}, {transform_indices = #map}, {transform_indices = #map}, {transform_indices = #map}, {transform_indices = #map}]} {
    %mul3A = arith.constant 2 : i32
    %mul3A_0 = arith.muli %arg1, %mul3A : i32
    %add3A = arith.addi %mul3A_0, %arg0 : i32
    %mul3A_1 = arith.constant 4 : i32
    %mul3A_2 = arith.muli %add3A, %mul3A_1 : i32
    %run_scoped3A = arith.constant 0 : i32
    "tpu.region"() ({
      %run_scoped3A_212 = tpu.sem_alloc : memref<!tpu.dma_semaphore, #tpu.memory_space<semaphore_mem>>
      %dma_start3A_213 = arith.constant 0 : i32
      %dma_start3A_214 = arith.constant 0 : i32
      %dma_start3A_215 = tpu.memref_slice %arg8[%run_scoped3A, %dma_start3A_213, %dma_start3A_214] : memref<2x4x128xi32, #tpu.memory_space<vmem>> -> memref<1x4x128xi32, #tpu.memory_space<vmem>>
      %dma_start3A_216 = tpu.memref_squeeze %dma_start3A_215 : memref<1x4x128xi32, #tpu.memory_space<vmem>> -> memref<4x128xi32, #tpu.memory_space<vmem>>
      %dma_start3A_217 = arith.constant 0 : i32
      %dma_start3A_218 = tpu.memref_slice %arg2[%mul3A_2, %dma_start3A_217] : memref<128x128xi32, #tpu.memory_space<hbm>> -> memref<4x128xi32, #tpu.memory_space<hbm>>
      %dma_start3A_219 = arith.constant 0 : i32
      %dma_start3A_220 = arith.constant 0 : i32
      %dma_start3A_221 = tpu.memref_slice %arg8[%run_scoped3A, %dma_start3A_219, %dma_start3A_220] : memref<2x4x128xi32, #tpu.memory_space<vmem>> -> memref<1x4x128xi32, #tpu.memory_space<vmem>>
      %dma_start3A_222 = tpu.memref_squeeze %dma_start3A_221 : memref<1x4x128xi32, #tpu.memory_space<vmem>> -> memref<4x128xi32, #tpu.memory_space<vmem>>
      %dma_start3A_223 = arith.constant 0 : i32
      %dma_start3A_224 = tpu.memref_slice %arg2[%mul3A_2, %dma_start3A_223] : memref<128x128xi32, #tpu.memory_space<hbm>> -> memref<4x128xi32, #tpu.memory_space<hbm>>
      tpu.enqueue_dma source(%dma_start3A_224 : memref<4x128xi32, #tpu.memory_space<hbm>>) target(%dma_start3A_222 : memref<4x128xi32, #tpu.memory_space<vmem>>) target_semaphore(%run_scoped3A_212 : memref<!tpu.dma_semaphore, #tpu.memory_space<semaphore_mem>>)
      %dma_wait3A_225 = arith.constant 0 : i32
      %dma_wait3A_226 = arith.constant 0 : i32
      %dma_wait3A_227 = tpu.memref_slice %arg8[%run_scoped3A, %dma_wait3A_225, %dma_wait3A_226] : memref<2x4x128xi32, #tpu.memory_space<vmem>> -> memref<1x4x128xi32, #tpu.memory_space<vmem>>
      %dma_wait3A_228 = tpu.memref_squeeze %dma_wait3A_227 : memref<1x4x128xi32, #tpu.memory_space<vmem>> -> memref<4x128xi32, #tpu.memory_space<vmem>>
      %dma_wait3A_229 = arith.constant 0 : i32
      %dma_wait3A_230 = tpu.memref_slice %arg2[%mul3A_2, %dma_wait3A_229] : memref<128x128xi32, #tpu.memory_space<hbm>> -> memref<4x128xi32, #tpu.memory_space<hbm>>
      %dma_wait3A_231 = arith.constant 0 : i32
      %dma_wait3A_232 = arith.constant 0 : i32
      %dma_wait3A_233 = tpu.memref_slice %arg8[%run_scoped3A, %dma_wait3A_231, %dma_wait3A_232] : memref<2x4x128xi32, #tpu.memory_space<vmem>> -> memref<1x4x128xi32, #tpu.memory_space<vmem>>
      %dma_wait3A_234 = tpu.memref_squeeze %dma_wait3A_233 : memref<1x4x128xi32, #tpu.memory_space<vmem>> -> memref<4x128xi32, #tpu.memory_space<vmem>>
      %dma_wait3A_235 = arith.constant 0 : i32
      %dma_wait3A_236 = tpu.memref_slice %arg2[%mul3A_2, %dma_wait3A_235] : memref<128x128xi32, #tpu.memory_space<hbm>> -> memref<4x128xi32, #tpu.memory_space<hbm>>
      tpu.wait_dma2 semaphore(%run_scoped3A_212 : memref<!tpu.dma_semaphore, #tpu.memory_space<semaphore_mem>>) src(%dma_wait3A_236 : memref<4x128xi32, #tpu.memory_space<hbm>>) dst(%dma_wait3A_234 : memref<4x128xi32, #tpu.memory_space<vmem>>)
      tpu.yield
    }) : () -> ()
    %run_scoped3A_3 = arith.constant 1 : i32
    "tpu.region"() ({
      %run_scoped3A_212 = tpu.sem_alloc : memref<!tpu.dma_semaphore, #tpu.memory_space<semaphore_mem>>
      %dma_start3A_213 = arith.constant 0 : i32
      %dma_start3A_214 = arith.constant 0 : i32
      %dma_start3A_215 = tpu.memref_slice %arg8[%run_scoped3A_3, %dma_start3A_213, %dma_start3A_214] : memref<2x4x128xi32, #tpu.memory_space<vmem>> -> memref<1x4x128xi32, #tpu.memory_space<vmem>>
      %dma_start3A_216 = tpu.memref_squeeze %dma_start3A_215 : memref<1x4x128xi32, #tpu.memory_space<vmem>> -> memref<4x128xi32, #tpu.memory_space<vmem>>
      %dma_start3A_217 = arith.constant 0 : i32
      %dma_start3A_218 = tpu.memref_slice %arg3[%mul3A_2, %dma_start3A_217] : memref<128x128xi32, #tpu.memory_space<hbm>> -> memref<4x128xi32, #tpu.memory_space<hbm>>
      %dma_start3A_219 = arith.constant 0 : i32
      %dma_start3A_220 = arith.constant 0 : i32
      %dma_start3A_221 = tpu.memref_slice %arg8[%run_scoped3A_3, %dma_start3A_219, %dma_start3A_220] : memref<2x4x128xi32, #tpu.memory_space<vmem>> -> memref<1x4x128xi32, #tpu.memory_space<vmem>>
      %dma_start3A_222 = tpu.memref_squeeze %dma_start3A_221 : memref<1x4x128xi32, #tpu.memory_space<vmem>> -> memref<4x128xi32, #tpu.memory_space<vmem>>
      %dma_start3A_223 = arith.constant 0 : i32
      %dma_start3A_224 = tpu.memref_slice %arg3[%mul3A_2, %dma_start3A_223] : memref<128x128xi32, #tpu.memory_space<hbm>> -> memref<4x128xi32, #tpu.memory_space<hbm>>
      tpu.enqueue_dma source(%dma_start3A_224 : memref<4x128xi32, #tpu.memory_space<hbm>>) target(%dma_start3A_222 : memref<4x128xi32, #tpu.memory_space<vmem>>) target_semaphore(%run_scoped3A_212 : memref<!tpu.dma_semaphore, #tpu.memory_space<semaphore_mem>>)
      %dma_wait3A_225 = arith.constant 0 : i32
      %dma_wait3A_226 = arith.constant 0 : i32
      %dma_wait3A_227 = tpu.memref_slice %arg8[%run_scoped3A_3, %dma_wait3A_225, %dma_wait3A_226] : memref<2x4x128xi32, #tpu.memory_space<vmem>> -> memref<1x4x128xi32, #tpu.memory_space<vmem>>
      %dma_wait3A_228 = tpu.memref_squeeze %dma_wait3A_227 : memref<1x4x128xi32, #tpu.memory_space<vmem>> -> memref<4x128xi32, #tpu.memory_space<vmem>>
      %dma_wait3A_229 = arith.constant 0 : i32
      %dma_wait3A_230 = tpu.memref_slice %arg3[%mul3A_2, %dma_wait3A_229] : memref<128x128xi32, #tpu.memory_space<hbm>> -> memref<4x128xi32, #tpu.memory_space<hbm>>
      %dma_wait3A_231 = arith.constant 0 : i32
      %dma_wait3A_232 = arith.constant 0 : i32
      %dma_wait3A_233 = tpu.memref_slice %arg8[%run_scoped3A_3, %dma_wait3A_231, %dma_wait3A_232] : memref<2x4x128xi32, #tpu.memory_space<vmem>> -> memref<1x4x128xi32, #tpu.memory_space<vmem>>
      %dma_wait3A_234 = tpu.memref_squeeze %dma_wait3A_233 : memref<1x4x128xi32, #tpu.memory_space<vmem>> -> memref<4x128xi32, #tpu.memory_space<vmem>>
      %dma_wait3A_235 = arith.constant 0 : i32
      %dma_wait3A_236 = tpu.memref_slice %arg3[%mul3A_2, %dma_wait3A_235] : memref<128x128xi32, #tpu.memory_space<hbm>> -> memref<4x128xi32, #tpu.memory_space<hbm>>
      tpu.wait_dma2 semaphore(%run_scoped3A_212 : memref<!tpu.dma_semaphore, #tpu.memory_space<semaphore_mem>>) src(%dma_wait3A_236 : memref<4x128xi32, #tpu.memory_space<hbm>>) dst(%dma_wait3A_234 : memref<4x128xi32, #tpu.memory_space<vmem>>)
      tpu.yield
    }) : () -> ()
    %dma_start3A = arith.constant 0 : i32
    %dma_start3A_4 = arith.constant 0 : i32
    %dma_start3A_5 = arith.constant 0 : i32
    %dma_start3A_6 = arith.constant 0 : i32
    %dma_start3A_7 = tpu.memref_slice %arg9[%dma_start3A_5, %dma_start3A_6] : memref<512x16xf32, #tpu.memory_space<vmem>> -> memref<128x16xf32, #tpu.memory_space<vmem>>
    %dma_start3A_8 = arith.constant 0 : i32
    %dma_start3A_9 = tpu.memref_slice %arg8[%dma_start3A, %dma_start3A_4, %dma_start3A_8] : memref<2x4x128xi32, #tpu.memory_space<vmem>> -> memref<1x1x128xi32, #tpu.memory_space<vmem>>
    %dma_start3A_10 = tpu.memref_squeeze %dma_start3A_9 : memref<1x1x128xi32, #tpu.memory_space<vmem>> -> memref<128xi32, #tpu.memory_space<vmem>>
    %dma_start3A_11 = arith.constant 0 : i32
    %dma_start3A_12 = arith.constant 0 : i32
    %dma_start3A_13 = tpu.memref_slice %arg4[%dma_start3A_11, %dma_start3A_12] : memref<106496x16xf32, #tpu.memory_space<hbm>> -> memref<106496x16xf32, #tpu.memory_space<hbm>>
    tpu.enqueue_indirect_dma source(%dma_start3A_13 : memref<106496x16xf32, #tpu.memory_space<hbm>>) target(%dma_start3A_7 : memref<128x16xf32, #tpu.memory_space<vmem>>) offsets(%dma_start3A_10 : memref<128xi32, #tpu.memory_space<vmem>>) semaphore(%arg11 : memref<!tpu.dma_semaphore, #tpu.memory_space<semaphore_mem>>)
    %dma_start3A_14 = arith.constant 0 : i32
    %dma_start3A_15 = arith.constant 1 : i32
    %dma_start3A_16 = arith.constant 128 : i32
    %dma_start3A_17 = arith.constant 0 : i32
    %dma_start3A_18 = tpu.memref_slice %arg9[%dma_start3A_16, %dma_start3A_17] : memref<512x16xf32, #tpu.memory_space<vmem>> -> memref<128x16xf32, #tpu.memory_space<vmem>>
    %dma_start3A_19 = arith.constant 0 : i32
    %dma_start3A_20 = tpu.memref_slice %arg8[%dma_start3A_14, %dma_start3A_15, %dma_start3A_19] : memref<2x4x128xi32, #tpu.memory_space<vmem>> -> memref<1x1x128xi32, #tpu.memory_space<vmem>>
    %dma_start3A_21 = tpu.memref_squeeze %dma_start3A_20 : memref<1x1x128xi32, #tpu.memory_space<vmem>> -> memref<128xi32, #tpu.memory_space<vmem>>
    %dma_start3A_22 = arith.constant 0 : i32
    %dma_start3A_23 = arith.constant 0 : i32
    %dma_start3A_24 = tpu.memref_slice %arg4[%dma_start3A_22, %dma_start3A_23] : memref<106496x16xf32, #tpu.memory_space<hbm>> -> memref<106496x16xf32, #tpu.memory_space<hbm>>
    tpu.enqueue_indirect_dma source(%dma_start3A_24 : memref<106496x16xf32, #tpu.memory_space<hbm>>) target(%dma_start3A_18 : memref<128x16xf32, #tpu.memory_space<vmem>>) offsets(%dma_start3A_21 : memref<128xi32, #tpu.memory_space<vmem>>) semaphore(%arg11 : memref<!tpu.dma_semaphore, #tpu.memory_space<semaphore_mem>>)
    %dma_start3A_25 = arith.constant 0 : i32
    %dma_start3A_26 = arith.constant 2 : i32
    %dma_start3A_27 = arith.constant 256 : i32
    %dma_start3A_28 = arith.constant 0 : i32
    %dma_start3A_29 = tpu.memref_slice %arg9[%dma_start3A_27, %dma_start3A_28] : memref<512x16xf32, #tpu.memory_space<vmem>> -> memref<128x16xf32, #tpu.memory_space<vmem>>
    %dma_start3A_30 = arith.constant 0 : i32
    %dma_start3A_31 = tpu.memref_slice %arg8[%dma_start3A_25, %dma_start3A_26, %dma_start3A_30] : memref<2x4x128xi32, #tpu.memory_space<vmem>> -> memref<1x1x128xi32, #tpu.memory_space<vmem>>
    %dma_start3A_32 = tpu.memref_squeeze %dma_start3A_31 : memref<1x1x128xi32, #tpu.memory_space<vmem>> -> memref<128xi32, #tpu.memory_space<vmem>>
    %dma_start3A_33 = arith.constant 0 : i32
    %dma_start3A_34 = arith.constant 0 : i32
    %dma_start3A_35 = tpu.memref_slice %arg4[%dma_start3A_33, %dma_start3A_34] : memref<106496x16xf32, #tpu.memory_space<hbm>> -> memref<106496x16xf32, #tpu.memory_space<hbm>>
    tpu.enqueue_indirect_dma source(%dma_start3A_35 : memref<106496x16xf32, #tpu.memory_space<hbm>>) target(%dma_start3A_29 : memref<128x16xf32, #tpu.memory_space<vmem>>) offsets(%dma_start3A_32 : memref<128xi32, #tpu.memory_space<vmem>>) semaphore(%arg11 : memref<!tpu.dma_semaphore, #tpu.memory_space<semaphore_mem>>)
    %dma_start3A_36 = arith.constant 0 : i32
    %dma_start3A_37 = arith.constant 3 : i32
    %dma_start3A_38 = arith.constant 384 : i32
    %dma_start3A_39 = arith.constant 0 : i32
    %dma_start3A_40 = tpu.memref_slice %arg9[%dma_start3A_38, %dma_start3A_39] : memref<512x16xf32, #tpu.memory_space<vmem>> -> memref<128x16xf32, #tpu.memory_space<vmem>>
    %dma_start3A_41 = arith.constant 0 : i32
    %dma_start3A_42 = tpu.memref_slice %arg8[%dma_start3A_36, %dma_start3A_37, %dma_start3A_41] : memref<2x4x128xi32, #tpu.memory_space<vmem>> -> memref<1x1x128xi32, #tpu.memory_space<vmem>>
    %dma_start3A_43 = tpu.memref_squeeze %dma_start3A_42 : memref<1x1x128xi32, #tpu.memory_space<vmem>> -> memref<128xi32, #tpu.memory_space<vmem>>
    %dma_start3A_44 = arith.constant 0 : i32
    %dma_start3A_45 = arith.constant 0 : i32
    %dma_start3A_46 = tpu.memref_slice %arg4[%dma_start3A_44, %dma_start3A_45] : memref<106496x16xf32, #tpu.memory_space<hbm>> -> memref<106496x16xf32, #tpu.memory_space<hbm>>
    tpu.enqueue_indirect_dma source(%dma_start3A_46 : memref<106496x16xf32, #tpu.memory_space<hbm>>) target(%dma_start3A_40 : memref<128x16xf32, #tpu.memory_space<vmem>>) offsets(%dma_start3A_43 : memref<128xi32, #tpu.memory_space<vmem>>) semaphore(%arg11 : memref<!tpu.dma_semaphore, #tpu.memory_space<semaphore_mem>>)
    %dma_start3A_47 = arith.constant 1 : i32
    %dma_start3A_48 = arith.constant 0 : i32
    %dma_start3A_49 = arith.constant 0 : i32
    %dma_start3A_50 = arith.constant 0 : i32
    %dma_start3A_51 = tpu.memref_slice %arg10[%dma_start3A_49, %dma_start3A_50] : memref<512x16xf32, #tpu.memory_space<vmem>> -> memref<128x16xf32, #tpu.memory_space<vmem>>
    %dma_start3A_52 = arith.constant 0 : i32
    %dma_start3A_53 = tpu.memref_slice %arg8[%dma_start3A_47, %dma_start3A_48, %dma_start3A_52] : memref<2x4x128xi32, #tpu.memory_space<vmem>> -> memref<1x1x128xi32, #tpu.memory_space<vmem>>
    %dma_start3A_54 = tpu.memref_squeeze %dma_start3A_53 : memref<1x1x128xi32, #tpu.memory_space<vmem>> -> memref<128xi32, #tpu.memory_space<vmem>>
    %dma_start3A_55 = arith.constant 0 : i32
    %dma_start3A_56 = arith.constant 0 : i32
    %dma_start3A_57 = tpu.memref_slice %arg5[%dma_start3A_55, %dma_start3A_56] : memref<106496x16xf32, #tpu.memory_space<hbm>> -> memref<106496x16xf32, #tpu.memory_space<hbm>>
    tpu.enqueue_indirect_dma source(%dma_start3A_57 : memref<106496x16xf32, #tpu.memory_space<hbm>>) target(%dma_start3A_51 : memref<128x16xf32, #tpu.memory_space<vmem>>) offsets(%dma_start3A_54 : memref<128xi32, #tpu.memory_space<vmem>>) semaphore(%arg12 : memref<!tpu.dma_semaphore, #tpu.memory_space<semaphore_mem>>)
    %dma_start3A_58 = arith.constant 1 : i32
    %dma_start3A_59 = arith.constant 1 : i32
    %dma_start3A_60 = arith.constant 128 : i32
    %dma_start3A_61 = arith.constant 0 : i32
    %dma_start3A_62 = tpu.memref_slice %arg10[%dma_start3A_60, %dma_start3A_61] : memref<512x16xf32, #tpu.memory_space<vmem>> -> memref<128x16xf32, #tpu.memory_space<vmem>>
    %dma_start3A_63 = arith.constant 0 : i32
    %dma_start3A_64 = tpu.memref_slice %arg8[%dma_start3A_58, %dma_start3A_59, %dma_start3A_63] : memref<2x4x128xi32, #tpu.memory_space<vmem>> -> memref<1x1x128xi32, #tpu.memory_space<vmem>>
    %dma_start3A_65 = tpu.memref_squeeze %dma_start3A_64 : memref<1x1x128xi32, #tpu.memory_space<vmem>> -> memref<128xi32, #tpu.memory_space<vmem>>
    %dma_start3A_66 = arith.constant 0 : i32
    %dma_start3A_67 = arith.constant 0 : i32
    %dma_start3A_68 = tpu.memref_slice %arg5[%dma_start3A_66, %dma_start3A_67] : memref<106496x16xf32, #tpu.memory_space<hbm>> -> memref<106496x16xf32, #tpu.memory_space<hbm>>
    tpu.enqueue_indirect_dma source(%dma_start3A_68 : memref<106496x16xf32, #tpu.memory_space<hbm>>) target(%dma_start3A_62 : memref<128x16xf32, #tpu.memory_space<vmem>>) offsets(%dma_start3A_65 : memref<128xi32, #tpu.memory_space<vmem>>) semaphore(%arg12 : memref<!tpu.dma_semaphore, #tpu.memory_space<semaphore_mem>>)
    %dma_start3A_69 = arith.constant 1 : i32
    %dma_start3A_70 = arith.constant 2 : i32
    %dma_start3A_71 = arith.constant 256 : i32
    %dma_start3A_72 = arith.constant 0 : i32
    %dma_start3A_73 = tpu.memref_slice %arg10[%dma_start3A_71, %dma_start3A_72] : memref<512x16xf32, #tpu.memory_space<vmem>> -> memref<128x16xf32, #tpu.memory_space<vmem>>
    %dma_start3A_74 = arith.constant 0 : i32
    %dma_start3A_75 = tpu.memref_slice %arg8[%dma_start3A_69, %dma_start3A_70, %dma_start3A_74] : memref<2x4x128xi32, #tpu.memory_space<vmem>> -> memref<1x1x128xi32, #tpu.memory_space<vmem>>
    %dma_start3A_76 = tpu.memref_squeeze %dma_start3A_75 : memref<1x1x128xi32, #tpu.memory_space<vmem>> -> memref<128xi32, #tpu.memory_space<vmem>>
    %dma_start3A_77 = arith.constant 0 : i32
    %dma_start3A_78 = arith.constant 0 : i32
    %dma_start3A_79 = tpu.memref_slice %arg5[%dma_start3A_77, %dma_start3A_78] : memref<106496x16xf32, #tpu.memory_space<hbm>> -> memref<106496x16xf32, #tpu.memory_space<hbm>>
    tpu.enqueue_indirect_dma source(%dma_start3A_79 : memref<106496x16xf32, #tpu.memory_space<hbm>>) target(%dma_start3A_73 : memref<128x16xf32, #tpu.memory_space<vmem>>) offsets(%dma_start3A_76 : memref<128xi32, #tpu.memory_space<vmem>>) semaphore(%arg12 : memref<!tpu.dma_semaphore, #tpu.memory_space<semaphore_mem>>)
    %dma_start3A_80 = arith.constant 1 : i32
    %dma_start3A_81 = arith.constant 3 : i32
    %dma_start3A_82 = arith.constant 384 : i32
    %dma_start3A_83 = arith.constant 0 : i32
    %dma_start3A_84 = tpu.memref_slice %arg10[%dma_start3A_82, %dma_start3A_83] : memref<512x16xf32, #tpu.memory_space<vmem>> -> memref<128x16xf32, #tpu.memory_space<vmem>>
    %dma_start3A_85 = arith.constant 0 : i32
    %dma_start3A_86 = tpu.memref_slice %arg8[%dma_start3A_80, %dma_start3A_81, %dma_start3A_85] : memref<2x4x128xi32, #tpu.memory_space<vmem>> -> memref<1x1x128xi32, #tpu.memory_space<vmem>>
    %dma_start3A_87 = tpu.memref_squeeze %dma_start3A_86 : memref<1x1x128xi32, #tpu.memory_space<vmem>> -> memref<128xi32, #tpu.memory_space<vmem>>
    %dma_start3A_88 = arith.constant 0 : i32
    %dma_start3A_89 = arith.constant 0 : i32
    %dma_start3A_90 = tpu.memref_slice %arg5[%dma_start3A_88, %dma_start3A_89] : memref<106496x16xf32, #tpu.memory_space<hbm>> -> memref<106496x16xf32, #tpu.memory_space<hbm>>
    tpu.enqueue_indirect_dma source(%dma_start3A_90 : memref<106496x16xf32, #tpu.memory_space<hbm>>) target(%dma_start3A_84 : memref<128x16xf32, #tpu.memory_space<vmem>>) offsets(%dma_start3A_87 : memref<128xi32, #tpu.memory_space<vmem>>) semaphore(%arg12 : memref<!tpu.dma_semaphore, #tpu.memory_space<semaphore_mem>>)
    %jit3A = arith.constant 4 : i32
    %eq3A = arith.constant 0 : i32
    %eq3A_91 = arith.cmpi eq, %jit3A, %eq3A : i32
    %jit3A_92 = arith.constant 1 : i32
    %select_n3A = arith.select %eq3A_91, %jit3A_92, %jit3A : i32
    %rem3A = arith.remsi %add3A, %select_n3A : i32
    %ne3A = arith.constant 0 : i32
    %ne3A_93 = arith.cmpi ne, %rem3A, %ne3A : i32
    %lt3A = arith.constant 0 : i32
    %lt3A_94 = arith.cmpi slt, %rem3A, %lt3A : i32
    %lt3A_95 = arith.constant 0 : i32
    %lt3A_96 = arith.cmpi slt, %select_n3A, %lt3A_95 : i32
    %ne3A_97 = arith.xori %lt3A_94, %lt3A_96 : i1
    %and3A = arith.andi %ne3A_97, %ne3A_93 : i1
    %add3A_98 = arith.addi %rem3A, %select_n3A : i32
    %select_n3A_99 = arith.select %and3A, %add3A_98, %rem3A : i32
    %mul3A_100 = arith.constant 512 : i32
    %mul3A_101 = arith.muli %select_n3A_99, %mul3A_100 : i32
    %jit3A_102 = arith.constant 4 : i32
    %div3A = arith.divsi %add3A, %jit3A_102 : i32
    %sign3A = arith.constant 0 : i32
    %sign3A_103 = arith.cmpi sgt, %add3A, %sign3A : i32
    %sign3A_104 = arith.extui %sign3A_103 : i1 to i32
    %sign3A_105 = arith.constant 0 : i32
    %sign3A_106 = arith.cmpi slt, %add3A, %sign3A_105 : i32
    %sign3A_107 = arith.extui %sign3A_106 : i1 to i32
    %sign3A_108 = arith.subi %sign3A_104, %sign3A_107 : i32
    %sign3A_109 = arith.constant 0 : i32
    %sign3A_110 = arith.cmpi sgt, %jit3A_102, %sign3A_109 : i32
    %sign3A_111 = arith.extui %sign3A_110 : i1 to i32
    %sign3A_112 = arith.constant 0 : i32
    %sign3A_113 = arith.cmpi slt, %jit3A_102, %sign3A_112 : i32
    %sign3A_114 = arith.extui %sign3A_113 : i1 to i32
    %sign3A_115 = arith.subi %sign3A_111, %sign3A_114 : i32
    %ne3A_116 = arith.cmpi ne, %sign3A_108, %sign3A_115 : i32
    %rem3A_117 = arith.remsi %add3A, %jit3A_102 : i32
    %ne3A_118 = arith.constant 0 : i32
    %ne3A_119 = arith.cmpi ne, %rem3A_117, %ne3A_118 : i32
    %and3A_120 = arith.andi %ne3A_116, %ne3A_119 : i1
    %sub3A = arith.constant 1 : i32
    %sub3A_121 = arith.subi %div3A, %sub3A : i32
    %select_n3A_122 = arith.select %and3A_120, %sub3A_121, %div3A : i32
    %mul3A_123 = arith.constant 16 : i32
    %mul3A_124 = arith.muli %select_n3A_122, %mul3A_123 : i32
    %dma_wait3A = arith.constant 0 : i32
    %dma_wait3A_125 = arith.constant 0 : i32
    %dma_wait3A_126 = arith.constant 0 : i32
    %dma_wait3A_127 = arith.constant 0 : i32
    %dma_wait3A_128 = tpu.memref_slice %arg9[%dma_wait3A_126, %dma_wait3A_127] : memref<512x16xf32, #tpu.memory_space<vmem>> -> memref<128x16xf32, #tpu.memory_space<vmem>>
    %dma_wait3A_129 = arith.constant 0 : i32
    %dma_wait3A_130 = tpu.memref_slice %arg8[%dma_wait3A, %dma_wait3A_125, %dma_wait3A_129] : memref<2x4x128xi32, #tpu.memory_space<vmem>> -> memref<1x1x128xi32, #tpu.memory_space<vmem>>
    %dma_wait3A_131 = tpu.memref_squeeze %dma_wait3A_130 : memref<1x1x128xi32, #tpu.memory_space<vmem>> -> memref<128xi32, #tpu.memory_space<vmem>>
    %dma_wait3A_132 = arith.constant 0 : i32
    %dma_wait3A_133 = arith.constant 0 : i32
    %dma_wait3A_134 = tpu.memref_slice %arg4[%dma_wait3A_132, %dma_wait3A_133] : memref<106496x16xf32, #tpu.memory_space<hbm>> -> memref<106496x16xf32, #tpu.memory_space<hbm>>
    tpu.wait_indirect_dma semaphore(%arg11 : memref<!tpu.dma_semaphore, #tpu.memory_space<semaphore_mem>>) src(%dma_wait3A_134 : memref<106496x16xf32, #tpu.memory_space<hbm>>) dst(%dma_wait3A_128 : memref<128x16xf32, #tpu.memory_space<vmem>>)
    %dma_wait3A_135 = arith.constant 0 : i32
    %dma_wait3A_136 = arith.constant 1 : i32
    %dma_wait3A_137 = arith.constant 128 : i32
    %dma_wait3A_138 = arith.constant 0 : i32
    %dma_wait3A_139 = tpu.memref_slice %arg9[%dma_wait3A_137, %dma_wait3A_138] : memref<512x16xf32, #tpu.memory_space<vmem>> -> memref<128x16xf32, #tpu.memory_space<vmem>>
    %dma_wait3A_140 = arith.constant 0 : i32
    %dma_wait3A_141 = tpu.memref_slice %arg8[%dma_wait3A_135, %dma_wait3A_136, %dma_wait3A_140] : memref<2x4x128xi32, #tpu.memory_space<vmem>> -> memref<1x1x128xi32, #tpu.memory_space<vmem>>
    %dma_wait3A_142 = tpu.memref_squeeze %dma_wait3A_141 : memref<1x1x128xi32, #tpu.memory_space<vmem>> -> memref<128xi32, #tpu.memory_space<vmem>>
    %dma_wait3A_143 = arith.constant 0 : i32
    %dma_wait3A_144 = arith.constant 0 : i32
    %dma_wait3A_145 = tpu.memref_slice %arg4[%dma_wait3A_143, %dma_wait3A_144] : memref<106496x16xf32, #tpu.memory_space<hbm>> -> memref<106496x16xf32, #tpu.memory_space<hbm>>
    tpu.wait_indirect_dma semaphore(%arg11 : memref<!tpu.dma_semaphore, #tpu.memory_space<semaphore_mem>>) src(%dma_wait3A_145 : memref<106496x16xf32, #tpu.memory_space<hbm>>) dst(%dma_wait3A_139 : memref<128x16xf32, #tpu.memory_space<vmem>>)
    %dma_wait3A_146 = arith.constant 0 : i32
    %dma_wait3A_147 = arith.constant 2 : i32
    %dma_wait3A_148 = arith.constant 256 : i32
    %dma_wait3A_149 = arith.constant 0 : i32
    %dma_wait3A_150 = tpu.memref_slice %arg9[%dma_wait3A_148, %dma_wait3A_149] : memref<512x16xf32, #tpu.memory_space<vmem>> -> memref<128x16xf32, #tpu.memory_space<vmem>>
    %dma_wait3A_151 = arith.constant 0 : i32
    %dma_wait3A_152 = tpu.memref_slice %arg8[%dma_wait3A_146, %dma_wait3A_147, %dma_wait3A_151] : memref<2x4x128xi32, #tpu.memory_space<vmem>> -> memref<1x1x128xi32, #tpu.memory_space<vmem>>
    %dma_wait3A_153 = tpu.memref_squeeze %dma_wait3A_152 : memref<1x1x128xi32, #tpu.memory_space<vmem>> -> memref<128xi32, #tpu.memory_space<vmem>>
    %dma_wait3A_154 = arith.constant 0 : i32
    %dma_wait3A_155 = arith.constant 0 : i32
    %dma_wait3A_156 = tpu.memref_slice %arg4[%dma_wait3A_154, %dma_wait3A_155] : memref<106496x16xf32, #tpu.memory_space<hbm>> -> memref<106496x16xf32, #tpu.memory_space<hbm>>
    tpu.wait_indirect_dma semaphore(%arg11 : memref<!tpu.dma_semaphore, #tpu.memory_space<semaphore_mem>>) src(%dma_wait3A_156 : memref<106496x16xf32, #tpu.memory_space<hbm>>) dst(%dma_wait3A_150 : memref<128x16xf32, #tpu.memory_space<vmem>>)
    %dma_wait3A_157 = arith.constant 0 : i32
    %dma_wait3A_158 = arith.constant 3 : i32
    %dma_wait3A_159 = arith.constant 384 : i32
    %dma_wait3A_160 = arith.constant 0 : i32
    %dma_wait3A_161 = tpu.memref_slice %arg9[%dma_wait3A_159, %dma_wait3A_160] : memref<512x16xf32, #tpu.memory_space<vmem>> -> memref<128x16xf32, #tpu.memory_space<vmem>>
    %dma_wait3A_162 = arith.constant 0 : i32
    %dma_wait3A_163 = tpu.memref_slice %arg8[%dma_wait3A_157, %dma_wait3A_158, %dma_wait3A_162] : memref<2x4x128xi32, #tpu.memory_space<vmem>> -> memref<1x1x128xi32, #tpu.memory_space<vmem>>
    %dma_wait3A_164 = tpu.memref_squeeze %dma_wait3A_163 : memref<1x1x128xi32, #tpu.memory_space<vmem>> -> memref<128xi32, #tpu.memory_space<vmem>>
    %dma_wait3A_165 = arith.constant 0 : i32
    %dma_wait3A_166 = arith.constant 0 : i32
    %dma_wait3A_167 = tpu.memref_slice %arg4[%dma_wait3A_165, %dma_wait3A_166] : memref<106496x16xf32, #tpu.memory_space<hbm>> -> memref<106496x16xf32, #tpu.memory_space<hbm>>
    tpu.wait_indirect_dma semaphore(%arg11 : memref<!tpu.dma_semaphore, #tpu.memory_space<semaphore_mem>>) src(%dma_wait3A_167 : memref<106496x16xf32, #tpu.memory_space<hbm>>) dst(%dma_wait3A_161 : memref<128x16xf32, #tpu.memory_space<vmem>>)
    "tpu.region"() ({
      %run_scoped3A_212 = tpu.sem_alloc : memref<!tpu.dma_semaphore, #tpu.memory_space<semaphore_mem>>
      %dma_start3A_213 = tpu.memref_slice %arg6[%mul3A_101, %mul3A_124] : memref<2048x128xf32, #tpu.memory_space<hbm>> -> memref<512x16xf32, #tpu.memory_space<hbm>>
      %dma_start3A_214 = tpu.memref_slice %arg6[%mul3A_101, %mul3A_124] : memref<2048x128xf32, #tpu.memory_space<hbm>> -> memref<512x16xf32, #tpu.memory_space<hbm>>
      tpu.enqueue_dma source(%arg9 : memref<512x16xf32, #tpu.memory_space<vmem>>) target(%dma_start3A_214 : memref<512x16xf32, #tpu.memory_space<hbm>>) target_semaphore(%run_scoped3A_212 : memref<!tpu.dma_semaphore, #tpu.memory_space<semaphore_mem>>)
      %dma_wait3A_215 = tpu.memref_slice %arg6[%mul3A_101, %mul3A_124] : memref<2048x128xf32, #tpu.memory_space<hbm>> -> memref<512x16xf32, #tpu.memory_space<hbm>>
      %dma_wait3A_216 = tpu.memref_slice %arg6[%mul3A_101, %mul3A_124] : memref<2048x128xf32, #tpu.memory_space<hbm>> -> memref<512x16xf32, #tpu.memory_space<hbm>>
      tpu.wait_dma2 semaphore(%run_scoped3A_212 : memref<!tpu.dma_semaphore, #tpu.memory_space<semaphore_mem>>) src(%arg9 : memref<512x16xf32, #tpu.memory_space<vmem>>) dst(%dma_wait3A_216 : memref<512x16xf32, #tpu.memory_space<hbm>>)
      tpu.yield
    }) : () -> ()
    %dma_wait3A_168 = arith.constant 1 : i32
    %dma_wait3A_169 = arith.constant 0 : i32
    %dma_wait3A_170 = arith.constant 0 : i32
    %dma_wait3A_171 = arith.constant 0 : i32
    %dma_wait3A_172 = tpu.memref_slice %arg10[%dma_wait3A_170, %dma_wait3A_171] : memref<512x16xf32, #tpu.memory_space<vmem>> -> memref<128x16xf32, #tpu.memory_space<vmem>>
    %dma_wait3A_173 = arith.constant 0 : i32
    %dma_wait3A_174 = tpu.memref_slice %arg8[%dma_wait3A_168, %dma_wait3A_169, %dma_wait3A_173] : memref<2x4x128xi32, #tpu.memory_space<vmem>> -> memref<1x1x128xi32, #tpu.memory_space<vmem>>
    %dma_wait3A_175 = tpu.memref_squeeze %dma_wait3A_174 : memref<1x1x128xi32, #tpu.memory_space<vmem>> -> memref<128xi32, #tpu.memory_space<vmem>>
    %dma_wait3A_176 = arith.constant 0 : i32
    %dma_wait3A_177 = arith.constant 0 : i32
    %dma_wait3A_178 = tpu.memref_slice %arg5[%dma_wait3A_176, %dma_wait3A_177] : memref<106496x16xf32, #tpu.memory_space<hbm>> -> memref<106496x16xf32, #tpu.memory_space<hbm>>
    tpu.wait_indirect_dma semaphore(%arg12 : memref<!tpu.dma_semaphore, #tpu.memory_space<semaphore_mem>>) src(%dma_wait3A_178 : memref<106496x16xf32, #tpu.memory_space<hbm>>) dst(%dma_wait3A_172 : memref<128x16xf32, #tpu.memory_space<vmem>>)
    %dma_wait3A_179 = arith.constant 1 : i32
    %dma_wait3A_180 = arith.constant 1 : i32
    %dma_wait3A_181 = arith.constant 128 : i32
    %dma_wait3A_182 = arith.constant 0 : i32
    %dma_wait3A_183 = tpu.memref_slice %arg10[%dma_wait3A_181, %dma_wait3A_182] : memref<512x16xf32, #tpu.memory_space<vmem>> -> memref<128x16xf32, #tpu.memory_space<vmem>>
    %dma_wait3A_184 = arith.constant 0 : i32
    %dma_wait3A_185 = tpu.memref_slice %arg8[%dma_wait3A_179, %dma_wait3A_180, %dma_wait3A_184] : memref<2x4x128xi32, #tpu.memory_space<vmem>> -> memref<1x1x128xi32, #tpu.memory_space<vmem>>
    %dma_wait3A_186 = tpu.memref_squeeze %dma_wait3A_185 : memref<1x1x128xi32, #tpu.memory_space<vmem>> -> memref<128xi32, #tpu.memory_space<vmem>>
    %dma_wait3A_187 = arith.constant 0 : i32
    %dma_wait3A_188 = arith.constant 0 : i32
    %dma_wait3A_189 = tpu.memref_slice %arg5[%dma_wait3A_187, %dma_wait3A_188] : memref<106496x16xf32, #tpu.memory_space<hbm>> -> memref<106496x16xf32, #tpu.memory_space<hbm>>
    tpu.wait_indirect_dma semaphore(%arg12 : memref<!tpu.dma_semaphore, #tpu.memory_space<semaphore_mem>>) src(%dma_wait3A_189 : memref<106496x16xf32, #tpu.memory_space<hbm>>) dst(%dma_wait3A_183 : memref<128x16xf32, #tpu.memory_space<vmem>>)
    %dma_wait3A_190 = arith.constant 1 : i32
    %dma_wait3A_191 = arith.constant 2 : i32
    %dma_wait3A_192 = arith.constant 256 : i32
    %dma_wait3A_193 = arith.constant 0 : i32
    %dma_wait3A_194 = tpu.memref_slice %arg10[%dma_wait3A_192, %dma_wait3A_193] : memref<512x16xf32, #tpu.memory_space<vmem>> -> memref<128x16xf32, #tpu.memory_space<vmem>>
    %dma_wait3A_195 = arith.constant 0 : i32
    %dma_wait3A_196 = tpu.memref_slice %arg8[%dma_wait3A_190, %dma_wait3A_191, %dma_wait3A_195] : memref<2x4x128xi32, #tpu.memory_space<vmem>> -> memref<1x1x128xi32, #tpu.memory_space<vmem>>
    %dma_wait3A_197 = tpu.memref_squeeze %dma_wait3A_196 : memref<1x1x128xi32, #tpu.memory_space<vmem>> -> memref<128xi32, #tpu.memory_space<vmem>>
    %dma_wait3A_198 = arith.constant 0 : i32
    %dma_wait3A_199 = arith.constant 0 : i32
    %dma_wait3A_200 = tpu.memref_slice %arg5[%dma_wait3A_198, %dma_wait3A_199] : memref<106496x16xf32, #tpu.memory_space<hbm>> -> memref<106496x16xf32, #tpu.memory_space<hbm>>
    tpu.wait_indirect_dma semaphore(%arg12 : memref<!tpu.dma_semaphore, #tpu.memory_space<semaphore_mem>>) src(%dma_wait3A_200 : memref<106496x16xf32, #tpu.memory_space<hbm>>) dst(%dma_wait3A_194 : memref<128x16xf32, #tpu.memory_space<vmem>>)
    %dma_wait3A_201 = arith.constant 1 : i32
    %dma_wait3A_202 = arith.constant 3 : i32
    %dma_wait3A_203 = arith.constant 384 : i32
    %dma_wait3A_204 = arith.constant 0 : i32
    %dma_wait3A_205 = tpu.memref_slice %arg10[%dma_wait3A_203, %dma_wait3A_204] : memref<512x16xf32, #tpu.memory_space<vmem>> -> memref<128x16xf32, #tpu.memory_space<vmem>>
    %dma_wait3A_206 = arith.constant 0 : i32
    %dma_wait3A_207 = tpu.memref_slice %arg8[%dma_wait3A_201, %dma_wait3A_202, %dma_wait3A_206] : memref<2x4x128xi32, #tpu.memory_space<vmem>> -> memref<1x1x128xi32, #tpu.memory_space<vmem>>
    %dma_wait3A_208 = tpu.memref_squeeze %dma_wait3A_207 : memref<1x1x128xi32, #tpu.memory_space<vmem>> -> memref<128xi32, #tpu.memory_space<vmem>>
    %dma_wait3A_209 = arith.constant 0 : i32
    %dma_wait3A_210 = arith.constant 0 : i32
    %dma_wait3A_211 = tpu.memref_slice %arg5[%dma_wait3A_209, %dma_wait3A_210] : memref<106496x16xf32, #tpu.memory_space<hbm>> -> memref<106496x16xf32, #tpu.memory_space<hbm>>
    tpu.wait_indirect_dma semaphore(%arg12 : memref<!tpu.dma_semaphore, #tpu.memory_space<semaphore_mem>>) src(%dma_wait3A_211 : memref<106496x16xf32, #tpu.memory_space<hbm>>) dst(%dma_wait3A_205 : memref<128x16xf32, #tpu.memory_space<vmem>>)
    "tpu.region"() ({
      %run_scoped3A_212 = tpu.sem_alloc : memref<!tpu.dma_semaphore, #tpu.memory_space<semaphore_mem>>
      %dma_start3A_213 = tpu.memref_slice %arg7[%mul3A_101, %mul3A_124] : memref<2048x128xf32, #tpu.memory_space<hbm>> -> memref<512x16xf32, #tpu.memory_space<hbm>>
      %dma_start3A_214 = tpu.memref_slice %arg7[%mul3A_101, %mul3A_124] : memref<2048x128xf32, #tpu.memory_space<hbm>> -> memref<512x16xf32, #tpu.memory_space<hbm>>
      tpu.enqueue_dma source(%arg10 : memref<512x16xf32, #tpu.memory_space<vmem>>) target(%dma_start3A_214 : memref<512x16xf32, #tpu.memory_space<hbm>>) target_semaphore(%run_scoped3A_212 : memref<!tpu.dma_semaphore, #tpu.memory_space<semaphore_mem>>)
      %dma_wait3A_215 = tpu.memref_slice %arg7[%mul3A_101, %mul3A_124] : memref<2048x128xf32, #tpu.memory_space<hbm>> -> memref<512x16xf32, #tpu.memory_space<hbm>>
      %dma_wait3A_216 = tpu.memref_slice %arg7[%mul3A_101, %mul3A_124] : memref<2048x128xf32, #tpu.memory_space<hbm>> -> memref<512x16xf32, #tpu.memory_space<hbm>>
      tpu.wait_dma2 semaphore(%run_scoped3A_212 : memref<!tpu.dma_semaphore, #tpu.memory_space<semaphore_mem>>) src(%arg10 : memref<512x16xf32, #tpu.memory_space<vmem>>) dst(%dma_wait3A_216 : memref<512x16xf32, #tpu.memory_space<hbm>>)
      tpu.yield
    }) : () -> ()
    return
  }
}

module attributes {stable_mosaic.version = 14 : i64} {
  func.func @_pack_body(%arg0: i32, %arg1: memref<16x8192xf32, #tpu.memory_space<vmem>>, %arg2: memref<16x8192xf32, #tpu.memory_space<vmem>>, %arg3: memref<1024x128xf32, #tpu.memory_space<vmem>>, %arg4: memref<1024x128xf32, #tpu.memory_space<vmem>>) attributes {dimension_semantics = [#tpu.dimension_semantics<arbitrary>], iteration_bounds = array<i64: 13>, scalar_prefetch = 0 : i64, scratch_operands = 0 : i64, tpu.core_type = #tpu.core_type<tc>, window_params = [{transform_indices = @transform_0, window_bounds = array<i64: 16, 8192>}, {transform_indices = @transform_1, window_bounds = array<i64: 16, 8192>}, {transform_indices = @transform_2, window_bounds = array<i64: 1024, 128>}, {transform_indices = @transform_3, window_bounds = array<i64: 1024, 128>}]} {
    %get3A = arith.constant 0 : index
    %get3A_0 = arith.constant 0 : index
    %get3A_1 = vector.load %arg1[%get3A, %get3A_0] : memref<16x8192xf32, #tpu.memory_space<vmem>>, vector<16x8192xf32>
    %transpose3A = tpu.transpose %get3A_1, [1, 0] : vector<16x8192xf32> -> vector<8192x16xf32>
    %slice3A = vector.extract_strided_slice %transpose3A {offsets = [0, 0], sizes = [1024, 16], strides = [1, 1]} : vector<8192x16xf32> to vector<1024x16xf32>
    %slice3A_2 = vector.extract_strided_slice %transpose3A {offsets = [1024, 0], sizes = [1024, 16], strides = [1, 1]} : vector<8192x16xf32> to vector<1024x16xf32>
    %slice3A_3 = vector.extract_strided_slice %transpose3A {offsets = [2048, 0], sizes = [1024, 16], strides = [1, 1]} : vector<8192x16xf32> to vector<1024x16xf32>
    %slice3A_4 = vector.extract_strided_slice %transpose3A {offsets = [3072, 0], sizes = [1024, 16], strides = [1, 1]} : vector<8192x16xf32> to vector<1024x16xf32>
    %slice3A_5 = vector.extract_strided_slice %transpose3A {offsets = [4096, 0], sizes = [1024, 16], strides = [1, 1]} : vector<8192x16xf32> to vector<1024x16xf32>
    %slice3A_6 = vector.extract_strided_slice %transpose3A {offsets = [5120, 0], sizes = [1024, 16], strides = [1, 1]} : vector<8192x16xf32> to vector<1024x16xf32>
    %slice3A_7 = vector.extract_strided_slice %transpose3A {offsets = [6144, 0], sizes = [1024, 16], strides = [1, 1]} : vector<8192x16xf32> to vector<1024x16xf32>
    %slice3A_8 = vector.extract_strided_slice %transpose3A {offsets = [7168, 0], sizes = [1024, 16], strides = [1, 1]} : vector<8192x16xf32> to vector<1024x16xf32>
    %concatenate3A = tpu.concatenate %slice3A, %slice3A_2, %slice3A_3, %slice3A_4, %slice3A_5, %slice3A_6, %slice3A_7, %slice3A_8 in 1 : vector<1024x16xf32>, vector<1024x16xf32>, vector<1024x16xf32>, vector<1024x16xf32>, vector<1024x16xf32>, vector<1024x16xf32>, vector<1024x16xf32>, vector<1024x16xf32> -> vector<1024x128xf32>
    %swap3A = arith.constant 0 : index
    %swap3A_9 = arith.constant 0 : index
    %swap3A_10 = vector.load %arg3[%swap3A, %swap3A_9] : memref<1024x128xf32, #tpu.memory_space<vmem>>, vector<1024x128xf32>
    tpu.vector_store %arg3[%swap3A, %swap3A_9], %concatenate3A {strides = array<i32>} : memref<1024x128xf32, #tpu.memory_space<vmem>>, vector<1024x128xf32>,
    %get3A_11 = arith.constant 0 : index
    %get3A_12 = arith.constant 0 : index
    %get3A_13 = vector.load %arg2[%get3A_11, %get3A_12] : memref<16x8192xf32, #tpu.memory_space<vmem>>, vector<16x8192xf32>
    %transpose3A_14 = tpu.transpose %get3A_13, [1, 0] : vector<16x8192xf32> -> vector<8192x16xf32>
    %slice3A_15 = vector.extract_strided_slice %transpose3A_14 {offsets = [0, 0], sizes = [1024, 16], strides = [1, 1]} : vector<8192x16xf32> to vector<1024x16xf32>
    %slice3A_16 = vector.extract_strided_slice %transpose3A_14 {offsets = [1024, 0], sizes = [1024, 16], strides = [1, 1]} : vector<8192x16xf32> to vector<1024x16xf32>
    %slice3A_17 = vector.extract_strided_slice %transpose3A_14 {offsets = [2048, 0], sizes = [1024, 16], strides = [1, 1]} : vector<8192x16xf32> to vector<1024x16xf32>
    %slice3A_18 = vector.extract_strided_slice %transpose3A_14 {offsets = [3072, 0], sizes = [1024, 16], strides = [1, 1]} : vector<8192x16xf32> to vector<1024x16xf32>
    %slice3A_19 = vector.extract_strided_slice %transpose3A_14 {offsets = [4096, 0], sizes = [1024, 16], strides = [1, 1]} : vector<8192x16xf32> to vector<1024x16xf32>
    %slice3A_20 = vector.extract_strided_slice %transpose3A_14 {offsets = [5120, 0], sizes = [1024, 16], strides = [1, 1]} : vector<8192x16xf32> to vector<1024x16xf32>
    %slice3A_21 = vector.extract_strided_slice %transpose3A_14 {offsets = [6144, 0], sizes = [1024, 16], strides = [1, 1]} : vector<8192x16xf32> to vector<1024x16xf32>
    %slice3A_22 = vector.extract_strided_slice %transpose3A_14 {offsets = [7168, 0], sizes = [1024, 16], strides = [1, 1]} : vector<8192x16xf32> to vector<1024x16xf32>
    %concatenate3A_23 = tpu.concatenate %slice3A_15, %slice3A_16, %slice3A_17, %slice3A_18, %slice3A_19, %slice3A_20, %slice3A_21, %slice3A_22 in 1 : vector<1024x16xf32>, vector<1024x16xf32>, vector<1024x16xf32>, vector<1024x16xf32>, vector<1024x16xf32>, vector<1024x16xf32>, vector<1024x16xf32>, vector<1024x16xf32> -> vector<1024x128xf32>
    %swap3A_24 = arith.constant 0 : index
    %swap3A_25 = arith.constant 0 : index
    %swap3A_26 = vector.load %arg4[%swap3A_24, %swap3A_25] : memref<1024x128xf32, #tpu.memory_space<vmem>>, vector<1024x128xf32>
    tpu.vector_store %arg4[%swap3A_24, %swap3A_25], %concatenate3A_23 {strides = array<i32>} : memref<1024x128xf32, #tpu.memory_space<vmem>>, vector<1024x128xf32>,
    return
  }
  func.func @transform_0(%arg0: i32) -> (i32, i32) {
    %c0_i32 = arith.constant 0 : i32
    %c0_i32_0 = arith.constant 0 : i32
    return %c0_i32, %arg0 : i32, i32
  }
  func.func @transform_1(%arg0: i32) -> (i32, i32) {
    %c0_i32 = arith.constant 0 : i32
    %c0_i32_0 = arith.constant 0 : i32
    return %c0_i32, %arg0 : i32, i32
  }
  func.func @transform_2(%arg0: i32) -> (i32, i32) {
    %c0_i32 = arith.constant 0 : i32
    %c0_i32_0 = arith.constant 0 : i32
    return %arg0, %c0_i32 : i32, i32
  }
  func.func @transform_3(%arg0: i32) -> (i32, i32) {
    %c0_i32 = arith.constant 0 : i32
    %c0_i32_0 = arith.constant 0 : i32
    return %arg0, %c0_i32 : i32, i32
  }
}

module attributes {stable_mosaic.version = 14 : i64} {
  func.func @_mlp_body(%arg0: memref<2048x128xf32, #tpu.memory_space<vmem>>, %arg1: memref<2048x128xf32, #tpu.memory_space<vmem>>, %arg2: memref<7x16384xf32, #tpu.memory_space<vmem>>, %arg3: memref<16x64xf32, #tpu.memory_space<vmem>>, %arg4: memref<16x64xf32, #tpu.memory_space<vmem>>, %arg5: memref<8x64xf32, #tpu.memory_space<vmem>>, %arg6: memref<1x64xf32, #tpu.memory_space<vmem>>, %arg7: memref<1x64xf32, #tpu.memory_space<vmem>>, %arg8: memref<64x32xf32, #tpu.memory_space<vmem>>, %arg9: memref<1x32xf32, #tpu.memory_space<vmem>>, %arg10: memref<1x32xf32, #tpu.memory_space<vmem>>, %arg11: memref<32x16xf32, #tpu.memory_space<vmem>>, %arg12: memref<1x16xf32, #tpu.memory_space<vmem>>, %arg13: memref<1x16xf32, #tpu.memory_space<vmem>>, %arg14: memref<16x8xf32, #tpu.memory_space<vmem>>, %arg15: memref<1x8xf32, #tpu.memory_space<vmem>>, %arg16: memref<1x8xf32, #tpu.memory_space<vmem>>, %arg17: memref<8x1xf32, #tpu.memory_space<vmem>>, %arg18: memref<1x1xf32, #tpu.memory_space<vmem>>, %arg19: memref<8x2048xf32, #tpu.memory_space<vmem>>) attributes {dimension_semantics = [], scalar_prefetch = 0 : i64, scratch_operands = 0 : i64, tpu.core_type = #tpu.core_type<tc>} {
    %get3A = arith.constant 0 : index
    %get3A_0 = arith.constant 0 : index
    %get3A_1 = vector.load %arg2[%get3A, %get3A_0] : memref<7x16384xf32, #tpu.memory_space<vmem>>, vector<7x16384xf32>
    %broadcast_in_dim3A = arith.constant 0.000000e+00 : f32
    %broadcast_in_dim3A_2 = vector.broadcast %broadcast_in_dim3A : f32 to vector<1x16384xf32>
    %concatenate3A = tpu.concatenate %get3A_1, %broadcast_in_dim3A_2 in 0 : vector<7x16384xf32>, vector<1x16384xf32> -> vector<8x16384xf32>
    %get3A_3 = arith.constant 0 : index
    %get3A_4 = arith.constant 0 : index
    %get3A_5 = vector.load %arg0[%get3A_3, %get3A_4] : memref<2048x128xf32, #tpu.memory_space<vmem>>, vector<2048x16xf32>
    %get3A_6 = arith.constant 0 : index
    %get3A_7 = arith.constant 0 : index
    %get3A_8 = vector.load %arg3[%get3A_6, %get3A_7] : memref<16x64xf32, #tpu.memory_space<vmem>>, vector<16x64xf32>
    %dot_general3A = arith.constant dense<0.000000e+00> : vector<2048x64xf32>
    %dot_general3A_9 = tpu.matmul %get3A_5, %get3A_8, %dot_general3A {dimension_numbers = #tpu.dot_dimension_numbers<[1], [0], [0], [1], [0, 0, 1, 1], [], []>, transpose_lhs_hint = false} : vector<2048x16xf32>, vector<16x64xf32>, vector<2048x64xf32> -> vector<2048x64xf32>
    %get3A_10 = arith.constant 0 : index
    %get3A_11 = arith.constant 0 : index
    %get3A_12 = vector.load %arg1[%get3A_10, %get3A_11] : memref<2048x128xf32, #tpu.memory_space<vmem>>, vector<2048x16xf32>
    %get3A_13 = arith.constant 0 : index
    %get3A_14 = arith.constant 0 : index
    %get3A_15 = vector.load %arg4[%get3A_13, %get3A_14] : memref<16x64xf32, #tpu.memory_space<vmem>>, vector<16x64xf32>
    %dot_general3A_16 = arith.constant dense<0.000000e+00> : vector<2048x64xf32>
    %dot_general3A_17 = tpu.matmul %get3A_12, %get3A_15, %dot_general3A_16 {dimension_numbers = #tpu.dot_dimension_numbers<[1], [0], [0], [1], [0, 0, 1, 1], [], []>, transpose_lhs_hint = false} : vector<2048x16xf32>, vector<16x64xf32>, vector<2048x64xf32> -> vector<2048x64xf32>
    %add3A = arith.addf %dot_general3A_9, %dot_general3A_17 : vector<2048x64xf32>
    %slice3A = vector.extract_strided_slice %concatenate3A {offsets = [0, 0], sizes = [8, 2048], strides = [1, 1]} : vector<8x16384xf32> to vector<8x2048xf32>
    %transpose3A = tpu.transpose %slice3A, [1, 0] : vector<8x2048xf32> -> vector<2048x8xf32>
    %get3A_18 = arith.constant 0 : index
    %get3A_19 = arith.constant 0 : index
    %get3A_20 = vector.load %arg5[%get3A_18, %get3A_19] : memref<8x64xf32, #tpu.memory_space<vmem>>, vector<8x64xf32>
    %dot_general3A_21 = arith.constant dense<0.000000e+00> : vector<2048x64xf32>
    %dot_general3A_22 = tpu.matmul %transpose3A, %get3A_20, %dot_general3A_21 {dimension_numbers = #tpu.dot_dimension_numbers<[1], [0], [0], [1], [0, 0, 1, 1], [], []>, transpose_lhs_hint = false} : vector<2048x8xf32>, vector<8x64xf32>, vector<2048x64xf32> -> vector<2048x64xf32>
    %add3A_23 = arith.addf %add3A, %dot_general3A_22 : vector<2048x64xf32>
    %get3A_24 = arith.constant 0 : index
    %get3A_25 = arith.constant 16 : index
    %get3A_26 = vector.load %arg0[%get3A_24, %get3A_25] : memref<2048x128xf32, #tpu.memory_space<vmem>>, vector<2048x16xf32>
    %get3A_27 = arith.constant 0 : index
    %get3A_28 = arith.constant 0 : index
    %get3A_29 = vector.load %arg3[%get3A_27, %get3A_28] : memref<16x64xf32, #tpu.memory_space<vmem>>, vector<16x64xf32>
    %dot_general3A_30 = arith.constant dense<0.000000e+00> : vector<2048x64xf32>
    %dot_general3A_31 = tpu.matmul %get3A_26, %get3A_29, %dot_general3A_30 {dimension_numbers = #tpu.dot_dimension_numbers<[1], [0], [0], [1], [0, 0, 1, 1], [], []>, transpose_lhs_hint = false} : vector<2048x16xf32>, vector<16x64xf32>, vector<2048x64xf32> -> vector<2048x64xf32>
    %get3A_32 = arith.constant 0 : index
    %get3A_33 = arith.constant 16 : index
    %get3A_34 = vector.load %arg1[%get3A_32, %get3A_33] : memref<2048x128xf32, #tpu.memory_space<vmem>>, vector<2048x16xf32>
    %get3A_35 = arith.constant 0 : index
    %get3A_36 = arith.constant 0 : index
    %get3A_37 = vector.load %arg4[%get3A_35, %get3A_36] : memref<16x64xf32, #tpu.memory_space<vmem>>, vector<16x64xf32>
    %dot_general3A_38 = arith.constant dense<0.000000e+00> : vector<2048x64xf32>
    %dot_general3A_39 = tpu.matmul %get3A_34, %get3A_37, %dot_general3A_38 {dimension_numbers = #tpu.dot_dimension_numbers<[1], [0], [0], [1], [0, 0, 1, 1], [], []>, transpose_lhs_hint = false} : vector<2048x16xf32>, vector<16x64xf32>, vector<2048x64xf32> -> vector<2048x64xf32>
    %add3A_40 = arith.addf %dot_general3A_31, %dot_general3A_39 : vector<2048x64xf32>
    %slice3A_41 = vector.extract_strided_slice %concatenate3A {offsets = [0, 2048], sizes = [8, 2048], strides = [1, 1]} : vector<8x16384xf32> to vector<8x2048xf32>
    %transpose3A_42 = tpu.transpose %slice3A_41, [1, 0] : vector<8x2048xf32> -> vector<2048x8xf32>
    %get3A_43 = arith.constant 0 : index
    %get3A_44 = arith.constant 0 : index
    %get3A_45 = vector.load %arg5[%get3A_43, %get3A_44] : memref<8x64xf32, #tpu.memory_space<vmem>>, vector<8x64xf32>
    %dot_general3A_46 = arith.constant dense<0.000000e+00> : vector<2048x64xf32>
    %dot_general3A_47 = tpu.matmul %transpose3A_42, %get3A_45, %dot_general3A_46 {dimension_numbers = #tpu.dot_dimension_numbers<[1], [0], [0], [1], [0, 0, 1, 1], [], []>, transpose_lhs_hint = false} : vector<2048x8xf32>, vector<8x64xf32>, vector<2048x64xf32> -> vector<2048x64xf32>
    %add3A_48 = arith.addf %add3A_40, %dot_general3A_47 : vector<2048x64xf32>
    %get3A_49 = arith.constant 0 : index
    %get3A_50 = arith.constant 32 : index
    %get3A_51 = vector.load %arg0[%get3A_49, %get3A_50] : memref<2048x128xf32, #tpu.memory_space<vmem>>, vector<2048x16xf32>
    %get3A_52 = arith.constant 0 : index
    %get3A_53 = arith.constant 0 : index
    %get3A_54 = vector.load %arg3[%get3A_52, %get3A_53] : memref<16x64xf32, #tpu.memory_space<vmem>>, vector<16x64xf32>
    %dot_general3A_55 = arith.constant dense<0.000000e+00> : vector<2048x64xf32>
    %dot_general3A_56 = tpu.matmul %get3A_51, %get3A_54, %dot_general3A_55 {dimension_numbers = #tpu.dot_dimension_numbers<[1], [0], [0], [1], [0, 0, 1, 1], [], []>, transpose_lhs_hint = false} : vector<2048x16xf32>, vector<16x64xf32>, vector<2048x64xf32> -> vector<2048x64xf32>
    %get3A_57 = arith.constant 0 : index
    %get3A_58 = arith.constant 32 : index
    %get3A_59 = vector.load %arg1[%get3A_57, %get3A_58] : memref<2048x128xf32, #tpu.memory_space<vmem>>, vector<2048x16xf32>
    %get3A_60 = arith.constant 0 : index
    %get3A_61 = arith.constant 0 : index
    %get3A_62 = vector.load %arg4[%get3A_60, %get3A_61] : memref<16x64xf32, #tpu.memory_space<vmem>>, vector<16x64xf32>
    %dot_general3A_63 = arith.constant dense<0.000000e+00> : vector<2048x64xf32>
    %dot_general3A_64 = tpu.matmul %get3A_59, %get3A_62, %dot_general3A_63 {dimension_numbers = #tpu.dot_dimension_numbers<[1], [0], [0], [1], [0, 0, 1, 1], [], []>, transpose_lhs_hint = false} : vector<2048x16xf32>, vector<16x64xf32>, vector<2048x64xf32> -> vector<2048x64xf32>
    %add3A_65 = arith.addf %dot_general3A_56, %dot_general3A_64 : vector<2048x64xf32>
    %slice3A_66 = vector.extract_strided_slice %concatenate3A {offsets = [0, 4096], sizes = [8, 2048], strides = [1, 1]} : vector<8x16384xf32> to vector<8x2048xf32>
    %transpose3A_67 = tpu.transpose %slice3A_66, [1, 0] : vector<8x2048xf32> -> vector<2048x8xf32>
    %get3A_68 = arith.constant 0 : index
    %get3A_69 = arith.constant 0 : index
    %get3A_70 = vector.load %arg5[%get3A_68, %get3A_69] : memref<8x64xf32, #tpu.memory_space<vmem>>, vector<8x64xf32>
    %dot_general3A_71 = arith.constant dense<0.000000e+00> : vector<2048x64xf32>
    %dot_general3A_72 = tpu.matmul %transpose3A_67, %get3A_70, %dot_general3A_71 {dimension_numbers = #tpu.dot_dimension_numbers<[1], [0], [0], [1], [0, 0, 1, 1], [], []>, transpose_lhs_hint = false} : vector<2048x8xf32>, vector<8x64xf32>, vector<2048x64xf32> -> vector<2048x64xf32>
    %add3A_73 = arith.addf %add3A_65, %dot_general3A_72 : vector<2048x64xf32>
    %get3A_74 = arith.constant 0 : index
    %get3A_75 = arith.constant 48 : index
    %get3A_76 = vector.load %arg0[%get3A_74, %get3A_75] : memref<2048x128xf32, #tpu.memory_space<vmem>>, vector<2048x16xf32>
    %get3A_77 = arith.constant 0 : index
    %get3A_78 = arith.constant 0 : index
    %get3A_79 = vector.load %arg3[%get3A_77, %get3A_78] : memref<16x64xf32, #tpu.memory_space<vmem>>, vector<16x64xf32>
    %dot_general3A_80 = arith.constant dense<0.000000e+00> : vector<2048x64xf32>
    %dot_general3A_81 = tpu.matmul %get3A_76, %get3A_79, %dot_general3A_80 {dimension_numbers = #tpu.dot_dimension_numbers<[1], [0], [0], [1], [0, 0, 1, 1], [], []>, transpose_lhs_hint = false} : vector<2048x16xf32>, vector<16x64xf32>, vector<2048x64xf32> -> vector<2048x64xf32>
    %get3A_82 = arith.constant 0 : index
    %get3A_83 = arith.constant 48 : index
    %get3A_84 = vector.load %arg1[%get3A_82, %get3A_83] : memref<2048x128xf32, #tpu.memory_space<vmem>>, vector<2048x16xf32>
    %get3A_85 = arith.constant 0 : index
    %get3A_86 = arith.constant 0 : index
    %get3A_87 = vector.load %arg4[%get3A_85, %get3A_86] : memref<16x64xf32, #tpu.memory_space<vmem>>, vector<16x64xf32>
    %dot_general3A_88 = arith.constant dense<0.000000e+00> : vector<2048x64xf32>
    %dot_general3A_89 = tpu.matmul %get3A_84, %get3A_87, %dot_general3A_88 {dimension_numbers = #tpu.dot_dimension_numbers<[1], [0], [0], [1], [0, 0, 1, 1], [], []>, transpose_lhs_hint = false} : vector<2048x16xf32>, vector<16x64xf32>, vector<2048x64xf32> -> vector<2048x64xf32>
    %add3A_90 = arith.addf %dot_general3A_81, %dot_general3A_89 : vector<2048x64xf32>
    %slice3A_91 = vector.extract_strided_slice %concatenate3A {offsets = [0, 6144], sizes = [8, 2048], strides = [1, 1]} : vector<8x16384xf32> to vector<8x2048xf32>
    %transpose3A_92 = tpu.transpose %slice3A_91, [1, 0] : vector<8x2048xf32> -> vector<2048x8xf32>
    %get3A_93 = arith.constant 0 : index
    %get3A_94 = arith.constant 0 : index
    %get3A_95 = vector.load %arg5[%get3A_93, %get3A_94] : memref<8x64xf32, #tpu.memory_space<vmem>>, vector<8x64xf32>
    %dot_general3A_96 = arith.constant dense<0.000000e+00> : vector<2048x64xf32>
    %dot_general3A_97 = tpu.matmul %transpose3A_92, %get3A_95, %dot_general3A_96 {dimension_numbers = #tpu.dot_dimension_numbers<[1], [0], [0], [1], [0, 0, 1, 1], [], []>, transpose_lhs_hint = false} : vector<2048x8xf32>, vector<8x64xf32>, vector<2048x64xf32> -> vector<2048x64xf32>
    %add3A_98 = arith.addf %add3A_90, %dot_general3A_97 : vector<2048x64xf32>
    %get3A_99 = arith.constant 0 : index
    %get3A_100 = arith.constant 64 : index
    %get3A_101 = vector.load %arg0[%get3A_99, %get3A_100] : memref<2048x128xf32, #tpu.memory_space<vmem>>, vector<2048x16xf32>
    %get3A_102 = arith.constant 0 : index
    %get3A_103 = arith.constant 0 : index
    %get3A_104 = vector.load %arg3[%get3A_102, %get3A_103] : memref<16x64xf32, #tpu.memory_space<vmem>>, vector<16x64xf32>
    %dot_general3A_105 = arith.constant dense<0.000000e+00> : vector<2048x64xf32>
    %dot_general3A_106 = tpu.matmul %get3A_101, %get3A_104, %dot_general3A_105 {dimension_numbers = #tpu.dot_dimension_numbers<[1], [0], [0], [1], [0, 0, 1, 1], [], []>, transpose_lhs_hint = false} : vector<2048x16xf32>, vector<16x64xf32>, vector<2048x64xf32> -> vector<2048x64xf32>
    %get3A_107 = arith.constant 0 : index
    %get3A_108 = arith.constant 64 : index
    %get3A_109 = vector.load %arg1[%get3A_107, %get3A_108] : memref<2048x128xf32, #tpu.memory_space<vmem>>, vector<2048x16xf32>
    %get3A_110 = arith.constant 0 : index
    %get3A_111 = arith.constant 0 : index
    %get3A_112 = vector.load %arg4[%get3A_110, %get3A_111] : memref<16x64xf32, #tpu.memory_space<vmem>>, vector<16x64xf32>
    %dot_general3A_113 = arith.constant dense<0.000000e+00> : vector<2048x64xf32>
    %dot_general3A_114 = tpu.matmul %get3A_109, %get3A_112, %dot_general3A_113 {dimension_numbers = #tpu.dot_dimension_numbers<[1], [0], [0], [1], [0, 0, 1, 1], [], []>, transpose_lhs_hint = false} : vector<2048x16xf32>, vector<16x64xf32>, vector<2048x64xf32> -> vector<2048x64xf32>
    %add3A_115 = arith.addf %dot_general3A_106, %dot_general3A_114 : vector<2048x64xf32>
    %slice3A_116 = vector.extract_strided_slice %concatenate3A {offsets = [0, 8192], sizes = [8, 2048], strides = [1, 1]} : vector<8x16384xf32> to vector<8x2048xf32>
    %transpose3A_117 = tpu.transpose %slice3A_116, [1, 0] : vector<8x2048xf32> -> vector<2048x8xf32>
    %get3A_118 = arith.constant 0 : index
    %get3A_119 = arith.constant 0 : index
    %get3A_120 = vector.load %arg5[%get3A_118, %get3A_119] : memref<8x64xf32, #tpu.memory_space<vmem>>, vector<8x64xf32>
    %dot_general3A_121 = arith.constant dense<0.000000e+00> : vector<2048x64xf32>
    %dot_general3A_122 = tpu.matmul %transpose3A_117, %get3A_120, %dot_general3A_121 {dimension_numbers = #tpu.dot_dimension_numbers<[1], [0], [0], [1], [0, 0, 1, 1], [], []>, transpose_lhs_hint = false} : vector<2048x8xf32>, vector<8x64xf32>, vector<2048x64xf32> -> vector<2048x64xf32>
    %add3A_123 = arith.addf %add3A_115, %dot_general3A_122 : vector<2048x64xf32>
    %get3A_124 = arith.constant 0 : index
    %get3A_125 = arith.constant 80 : index
    %get3A_126 = vector.load %arg0[%get3A_124, %get3A_125] : memref<2048x128xf32, #tpu.memory_space<vmem>>, vector<2048x16xf32>
    %get3A_127 = arith.constant 0 : index
    %get3A_128 = arith.constant 0 : index
    %get3A_129 = vector.load %arg3[%get3A_127, %get3A_128] : memref<16x64xf32, #tpu.memory_space<vmem>>, vector<16x64xf32>
    %dot_general3A_130 = arith.constant dense<0.000000e+00> : vector<2048x64xf32>
    %dot_general3A_131 = tpu.matmul %get3A_126, %get3A_129, %dot_general3A_130 {dimension_numbers = #tpu.dot_dimension_numbers<[1], [0], [0], [1], [0, 0, 1, 1], [], []>, transpose_lhs_hint = false} : vector<2048x16xf32>, vector<16x64xf32>, vector<2048x64xf32> -> vector<2048x64xf32>
    %get3A_132 = arith.constant 0 : index
    %get3A_133 = arith.constant 80 : index
    %get3A_134 = vector.load %arg1[%get3A_132, %get3A_133] : memref<2048x128xf32, #tpu.memory_space<vmem>>, vector<2048x16xf32>
    %get3A_135 = arith.constant 0 : index
    %get3A_136 = arith.constant 0 : index
    %get3A_137 = vector.load %arg4[%get3A_135, %get3A_136] : memref<16x64xf32, #tpu.memory_space<vmem>>, vector<16x64xf32>
    %dot_general3A_138 = arith.constant dense<0.000000e+00> : vector<2048x64xf32>
    %dot_general3A_139 = tpu.matmul %get3A_134, %get3A_137, %dot_general3A_138 {dimension_numbers = #tpu.dot_dimension_numbers<[1], [0], [0], [1], [0, 0, 1, 1], [], []>, transpose_lhs_hint = false} : vector<2048x16xf32>, vector<16x64xf32>, vector<2048x64xf32> -> vector<2048x64xf32>
    %add3A_140 = arith.addf %dot_general3A_131, %dot_general3A_139 : vector<2048x64xf32>
    %slice3A_141 = vector.extract_strided_slice %concatenate3A {offsets = [0, 10240], sizes = [8, 2048], strides = [1, 1]} : vector<8x16384xf32> to vector<8x2048xf32>
    %transpose3A_142 = tpu.transpose %slice3A_141, [1, 0] : vector<8x2048xf32> -> vector<2048x8xf32>
    %get3A_143 = arith.constant 0 : index
    %get3A_144 = arith.constant 0 : index
    %get3A_145 = vector.load %arg5[%get3A_143, %get3A_144] : memref<8x64xf32, #tpu.memory_space<vmem>>, vector<8x64xf32>
    %dot_general3A_146 = arith.constant dense<0.000000e+00> : vector<2048x64xf32>
    %dot_general3A_147 = tpu.matmul %transpose3A_142, %get3A_145, %dot_general3A_146 {dimension_numbers = #tpu.dot_dimension_numbers<[1], [0], [0], [1], [0, 0, 1, 1], [], []>, transpose_lhs_hint = false} : vector<2048x8xf32>, vector<8x64xf32>, vector<2048x64xf32> -> vector<2048x64xf32>
    %add3A_148 = arith.addf %add3A_140, %dot_general3A_147 : vector<2048x64xf32>
    %get3A_149 = arith.constant 0 : index
    %get3A_150 = arith.constant 96 : index
    %get3A_151 = vector.load %arg0[%get3A_149, %get3A_150] : memref<2048x128xf32, #tpu.memory_space<vmem>>, vector<2048x16xf32>
    %get3A_152 = arith.constant 0 : index
    %get3A_153 = arith.constant 0 : index
    %get3A_154 = vector.load %arg3[%get3A_152, %get3A_153] : memref<16x64xf32, #tpu.memory_space<vmem>>, vector<16x64xf32>
    %dot_general3A_155 = arith.constant dense<0.000000e+00> : vector<2048x64xf32>
    %dot_general3A_156 = tpu.matmul %get3A_151, %get3A_154, %dot_general3A_155 {dimension_numbers = #tpu.dot_dimension_numbers<[1], [0], [0], [1], [0, 0, 1, 1], [], []>, transpose_lhs_hint = false} : vector<2048x16xf32>, vector<16x64xf32>, vector<2048x64xf32> -> vector<2048x64xf32>
    %get3A_157 = arith.constant 0 : index
    %get3A_158 = arith.constant 96 : index
    %get3A_159 = vector.load %arg1[%get3A_157, %get3A_158] : memref<2048x128xf32, #tpu.memory_space<vmem>>, vector<2048x16xf32>
    %get3A_160 = arith.constant 0 : index
    %get3A_161 = arith.constant 0 : index
    %get3A_162 = vector.load %arg4[%get3A_160, %get3A_161] : memref<16x64xf32, #tpu.memory_space<vmem>>, vector<16x64xf32>
    %dot_general3A_163 = arith.constant dense<0.000000e+00> : vector<2048x64xf32>
    %dot_general3A_164 = tpu.matmul %get3A_159, %get3A_162, %dot_general3A_163 {dimension_numbers = #tpu.dot_dimension_numbers<[1], [0], [0], [1], [0, 0, 1, 1], [], []>, transpose_lhs_hint = false} : vector<2048x16xf32>, vector<16x64xf32>, vector<2048x64xf32> -> vector<2048x64xf32>
    %add3A_165 = arith.addf %dot_general3A_156, %dot_general3A_164 : vector<2048x64xf32>
    %slice3A_166 = vector.extract_strided_slice %concatenate3A {offsets = [0, 12288], sizes = [8, 2048], strides = [1, 1]} : vector<8x16384xf32> to vector<8x2048xf32>
    %transpose3A_167 = tpu.transpose %slice3A_166, [1, 0] : vector<8x2048xf32> -> vector<2048x8xf32>
    %get3A_168 = arith.constant 0 : index
    %get3A_169 = arith.constant 0 : index
    %get3A_170 = vector.load %arg5[%get3A_168, %get3A_169] : memref<8x64xf32, #tpu.memory_space<vmem>>, vector<8x64xf32>
    %dot_general3A_171 = arith.constant dense<0.000000e+00> : vector<2048x64xf32>
    %dot_general3A_172 = tpu.matmul %transpose3A_167, %get3A_170, %dot_general3A_171 {dimension_numbers = #tpu.dot_dimension_numbers<[1], [0], [0], [1], [0, 0, 1, 1], [], []>, transpose_lhs_hint = false} : vector<2048x8xf32>, vector<8x64xf32>, vector<2048x64xf32> -> vector<2048x64xf32>
    %add3A_173 = arith.addf %add3A_165, %dot_general3A_172 : vector<2048x64xf32>
    %get3A_174 = arith.constant 0 : index
    %get3A_175 = arith.constant 112 : index
    %get3A_176 = vector.load %arg0[%get3A_174, %get3A_175] : memref<2048x128xf32, #tpu.memory_space<vmem>>, vector<2048x16xf32>
    %get3A_177 = arith.constant 0 : index
    %get3A_178 = arith.constant 0 : index
    %get3A_179 = vector.load %arg3[%get3A_177, %get3A_178] : memref<16x64xf32, #tpu.memory_space<vmem>>, vector<16x64xf32>
    %dot_general3A_180 = arith.constant dense<0.000000e+00> : vector<2048x64xf32>
    %dot_general3A_181 = tpu.matmul %get3A_176, %get3A_179, %dot_general3A_180 {dimension_numbers = #tpu.dot_dimension_numbers<[1], [0], [0], [1], [0, 0, 1, 1], [], []>, transpose_lhs_hint = false} : vector<2048x16xf32>, vector<16x64xf32>, vector<2048x64xf32> -> vector<2048x64xf32>
    %get3A_182 = arith.constant 0 : index
    %get3A_183 = arith.constant 112 : index
    %get3A_184 = vector.load %arg1[%get3A_182, %get3A_183] : memref<2048x128xf32, #tpu.memory_space<vmem>>, vector<2048x16xf32>
    %get3A_185 = arith.constant 0 : index
    %get3A_186 = arith.constant 0 : index
    %get3A_187 = vector.load %arg4[%get3A_185, %get3A_186] : memref<16x64xf32, #tpu.memory_space<vmem>>, vector<16x64xf32>
    %dot_general3A_188 = arith.constant dense<0.000000e+00> : vector<2048x64xf32>
    %dot_general3A_189 = tpu.matmul %get3A_184, %get3A_187, %dot_general3A_188 {dimension_numbers = #tpu.dot_dimension_numbers<[1], [0], [0], [1], [0, 0, 1, 1], [], []>, transpose_lhs_hint = false} : vector<2048x16xf32>, vector<16x64xf32>, vector<2048x64xf32> -> vector<2048x64xf32>
    %add3A_190 = arith.addf %dot_general3A_181, %dot_general3A_189 : vector<2048x64xf32>
    %slice3A_191 = vector.extract_strided_slice %concatenate3A {offsets = [0, 14336], sizes = [8, 2048], strides = [1, 1]} : vector<8x16384xf32> to vector<8x2048xf32>
    %transpose3A_192 = tpu.transpose %slice3A_191, [1, 0] : vector<8x2048xf32> -> vector<2048x8xf32>
    %get3A_193 = arith.constant 0 : index
    %get3A_194 = arith.constant 0 : index
    %get3A_195 = vector.load %arg5[%get3A_193, %get3A_194] : memref<8x64xf32, #tpu.memory_space<vmem>>, vector<8x64xf32>
    %dot_general3A_196 = arith.constant dense<0.000000e+00> : vector<2048x64xf32>
    %dot_general3A_197 = tpu.matmul %transpose3A_192, %get3A_195, %dot_general3A_196 {dimension_numbers = #tpu.dot_dimension_numbers<[1], [0], [0], [1], [0, 0, 1, 1], [], []>, transpose_lhs_hint = false} : vector<2048x8xf32>, vector<8x64xf32>, vector<2048x64xf32> -> vector<2048x64xf32>
    %add3A_198 = arith.addf %add3A_190, %dot_general3A_197 : vector<2048x64xf32>
    %reduce_sum3A = arith.constant dense<0.000000e+00> : vector<64xf32>
    %reduce_sum3A_199 = vector.multi_reduction <add>, %add3A_23, %reduce_sum3A [0] : vector<2048x64xf32> to vector<64xf32>
    %broadcast_in_dim3A_200 = vector.shape_cast %reduce_sum3A_199 : vector<64xf32> to vector<1x64xf32>
    %mul3A = arith.mulf %add3A_23, %add3A_23 : vector<2048x64xf32>
    %reduce_sum3A_201 = arith.constant dense<0.000000e+00> : vector<64xf32>
    %reduce_sum3A_202 = vector.multi_reduction <add>, %mul3A, %reduce_sum3A_201 [0] : vector<2048x64xf32> to vector<64xf32>
    %broadcast_in_dim3A_203 = vector.shape_cast %reduce_sum3A_202 : vector<64xf32> to vector<1x64xf32>
    %reduce_sum3A_204 = arith.constant dense<0.000000e+00> : vector<64xf32>
    %reduce_sum3A_205 = vector.multi_reduction <add>, %add3A_48, %reduce_sum3A_204 [0] : vector<2048x64xf32> to vector<64xf32>
    %broadcast_in_dim3A_206 = vector.shape_cast %reduce_sum3A_205 : vector<64xf32> to vector<1x64xf32>
    %add3A_207 = arith.addf %broadcast_in_dim3A_200, %broadcast_in_dim3A_206 : vector<1x64xf32>
    %mul3A_208 = arith.mulf %add3A_48, %add3A_48 : vector<2048x64xf32>
    %reduce_sum3A_209 = arith.constant dense<0.000000e+00> : vector<64xf32>
    %reduce_sum3A_210 = vector.multi_reduction <add>, %mul3A_208, %reduce_sum3A_209 [0] : vector<2048x64xf32> to vector<64xf32>
    %broadcast_in_dim3A_211 = vector.shape_cast %reduce_sum3A_210 : vector<64xf32> to vector<1x64xf32>
    %add3A_212 = arith.addf %broadcast_in_dim3A_203, %broadcast_in_dim3A_211 : vector<1x64xf32>
    %reduce_sum3A_213 = arith.constant dense<0.000000e+00> : vector<64xf32>
    %reduce_sum3A_214 = vector.multi_reduction <add>, %add3A_73, %reduce_sum3A_213 [0] : vector<2048x64xf32> to vector<64xf32>
    %broadcast_in_dim3A_215 = vector.shape_cast %reduce_sum3A_214 : vector<64xf32> to vector<1x64xf32>
    %add3A_216 = arith.addf %add3A_207, %broadcast_in_dim3A_215 : vector<1x64xf32>
    %mul3A_217 = arith.mulf %add3A_73, %add3A_73 : vector<2048x64xf32>
    %reduce_sum3A_218 = arith.constant dense<0.000000e+00> : vector<64xf32>
    %reduce_sum3A_219 = vector.multi_reduction <add>, %mul3A_217, %reduce_sum3A_218 [0] : vector<2048x64xf32> to vector<64xf32>
    %broadcast_in_dim3A_220 = vector.shape_cast %reduce_sum3A_219 : vector<64xf32> to vector<1x64xf32>
    %add3A_221 = arith.addf %add3A_212, %broadcast_in_dim3A_220 : vector<1x64xf32>
    %reduce_sum3A_222 = arith.constant dense<0.000000e+00> : vector<64xf32>
    %reduce_sum3A_223 = vector.multi_reduction <add>, %add3A_98, %reduce_sum3A_222 [0] : vector<2048x64xf32> to vector<64xf32>
    %broadcast_in_dim3A_224 = vector.shape_cast %reduce_sum3A_223 : vector<64xf32> to vector<1x64xf32>
    %add3A_225 = arith.addf %add3A_216, %broadcast_in_dim3A_224 : vector<1x64xf32>
    %mul3A_226 = arith.mulf %add3A_98, %add3A_98 : vector<2048x64xf32>
    %reduce_sum3A_227 = arith.constant dense<0.000000e+00> : vector<64xf32>
    %reduce_sum3A_228 = vector.multi_reduction <add>, %mul3A_226, %reduce_sum3A_227 [0] : vector<2048x64xf32> to vector<64xf32>
    %broadcast_in_dim3A_229 = vector.shape_cast %reduce_sum3A_228 : vector<64xf32> to vector<1x64xf32>
    %add3A_230 = arith.addf %add3A_221, %broadcast_in_dim3A_229 : vector<1x64xf32>
    %reduce_sum3A_231 = arith.constant dense<0.000000e+00> : vector<64xf32>
    %reduce_sum3A_232 = vector.multi_reduction <add>, %add3A_123, %reduce_sum3A_231 [0] : vector<2048x64xf32> to vector<64xf32>
    %broadcast_in_dim3A_233 = vector.shape_cast %reduce_sum3A_232 : vector<64xf32> to vector<1x64xf32>
    %add3A_234 = arith.addf %add3A_225, %broadcast_in_dim3A_233 : vector<1x64xf32>
    %mul3A_235 = arith.mulf %add3A_123, %add3A_123 : vector<2048x64xf32>
    %reduce_sum3A_236 = arith.constant dense<0.000000e+00> : vector<64xf32>
    %reduce_sum3A_237 = vector.multi_reduction <add>, %mul3A_235, %reduce_sum3A_236 [0] : vector<2048x64xf32> to vector<64xf32>
    %broadcast_in_dim3A_238 = vector.shape_cast %reduce_sum3A_237 : vector<64xf32> to vector<1x64xf32>
    %add3A_239 = arith.addf %add3A_230, %broadcast_in_dim3A_238 : vector<1x64xf32>
    %reduce_sum3A_240 = arith.constant dense<0.000000e+00> : vector<64xf32>
    %reduce_sum3A_241 = vector.multi_reduction <add>, %add3A_148, %reduce_sum3A_240 [0] : vector<2048x64xf32> to vector<64xf32>
    %broadcast_in_dim3A_242 = vector.shape_cast %reduce_sum3A_241 : vector<64xf32> to vector<1x64xf32>
    %add3A_243 = arith.addf %add3A_234, %broadcast_in_dim3A_242 : vector<1x64xf32>
    %mul3A_244 = arith.mulf %add3A_148, %add3A_148 : vector<2048x64xf32>
    %reduce_sum3A_245 = arith.constant dense<0.000000e+00> : vector<64xf32>
    %reduce_sum3A_246 = vector.multi_reduction <add>, %mul3A_244, %reduce_sum3A_245 [0] : vector<2048x64xf32> to vector<64xf32>
    %broadcast_in_dim3A_247 = vector.shape_cast %reduce_sum3A_246 : vector<64xf32> to vector<1x64xf32>
    %add3A_248 = arith.addf %add3A_239, %broadcast_in_dim3A_247 : vector<1x64xf32>
    %reduce_sum3A_249 = arith.constant dense<0.000000e+00> : vector<64xf32>
    %reduce_sum3A_250 = vector.multi_reduction <add>, %add3A_173, %reduce_sum3A_249 [0] : vector<2048x64xf32> to vector<64xf32>
    %broadcast_in_dim3A_251 = vector.shape_cast %reduce_sum3A_250 : vector<64xf32> to vector<1x64xf32>
    %add3A_252 = arith.addf %add3A_243, %broadcast_in_dim3A_251 : vector<1x64xf32>
    %mul3A_253 = arith.mulf %add3A_173, %add3A_173 : vector<2048x64xf32>
    %reduce_sum3A_254 = arith.constant dense<0.000000e+00> : vector<64xf32>
    %reduce_sum3A_255 = vector.multi_reduction <add>, %mul3A_253, %reduce_sum3A_254 [0] : vector<2048x64xf32> to vector<64xf32>
    %broadcast_in_dim3A_256 = vector.shape_cast %reduce_sum3A_255 : vector<64xf32> to vector<1x64xf32>
    %add3A_257 = arith.addf %add3A_248, %broadcast_in_dim3A_256 : vector<1x64xf32>
    %reduce_sum3A_258 = arith.constant dense<0.000000e+00> : vector<64xf32>
    %reduce_sum3A_259 = vector.multi_reduction <add>, %add3A_198, %reduce_sum3A_258 [0] : vector<2048x64xf32> to vector<64xf32>
    %broadcast_in_dim3A_260 = vector.shape_cast %reduce_sum3A_259 : vector<64xf32> to vector<1x64xf32>
    %add3A_261 = arith.addf %add3A_252, %broadcast_in_dim3A_260 : vector<1x64xf32>
    %mul3A_262 = arith.mulf %add3A_198, %add3A_198 : vector<2048x64xf32>
    %reduce_sum3A_263 = arith.constant dense<0.000000e+00> : vector<64xf32>
    %reduce_sum3A_264 = vector.multi_reduction <add>, %mul3A_262, %reduce_sum3A_263 [0] : vector<2048x64xf32> to vector<64xf32>
    %broadcast_in_dim3A_265 = vector.shape_cast %reduce_sum3A_264 : vector<64xf32> to vector<1x64xf32>
    %add3A_266 = arith.addf %add3A_257, %broadcast_in_dim3A_265 : vector<1x64xf32>
    %mul3A_267 = arith.constant 6.10351563E-5 : f32
    %mul3A_268 = vector.broadcast %mul3A_267 : f32 to vector<1x64xf32>
    %mul3A_269 = arith.mulf %add3A_261, %mul3A_268 : vector<1x64xf32>
    %mul3A_270 = arith.constant 6.10351563E-5 : f32
    %mul3A_271 = vector.broadcast %mul3A_270 : f32 to vector<1x64xf32>
    %mul3A_272 = arith.mulf %add3A_266, %mul3A_271 : vector<1x64xf32>
    %mul3A_273 = arith.mulf %mul3A_269, %mul3A_269 : vector<1x64xf32>
    %sub3A = arith.subf %mul3A_272, %mul3A_273 : vector<1x64xf32>
    %get3A_274 = arith.constant 0 : index
    %get3A_275 = arith.constant 0 : index
    %get3A_276 = vector.load %arg6[%get3A_274, %get3A_275] : memref<1x64xf32, #tpu.memory_space<vmem>>, vector<1x64xf32>
    %add3A_277 = arith.constant 9.99999974E-6 : f32
    %add3A_278 = vector.broadcast %add3A_277 : f32 to vector<1x64xf32>
    %add3A_279 = arith.addf %sub3A, %add3A_278 : vector<1x64xf32>
    %rsqrt3A = math.rsqrt %add3A_279 : vector<1x64xf32>
    %mul3A_280 = arith.mulf %get3A_276, %rsqrt3A : vector<1x64xf32>
    %get3A_281 = arith.constant 0 : index
    %get3A_282 = arith.constant 0 : index
    %get3A_283 = vector.load %arg7[%get3A_281, %get3A_282] : memref<1x64xf32, #tpu.memory_space<vmem>>, vector<1x64xf32>
    %mul3A_284 = arith.mulf %mul3A_269, %mul3A_280 : vector<1x64xf32>
    %sub3A_285 = arith.subf %get3A_283, %mul3A_284 : vector<1x64xf32>
    %mul3A_286 = vector.broadcast %mul3A_280 : vector<1x64xf32> to vector<2048x64xf32>
    %mul3A_287 = arith.mulf %add3A_23, %mul3A_286 : vector<2048x64xf32>
    %add3A_288 = vector.broadcast %sub3A_285 : vector<1x64xf32> to vector<2048x64xf32>
    %add3A_289 = arith.addf %mul3A_287, %add3A_288 : vector<2048x64xf32>
    %max3A = arith.constant 0.000000e+00 : f32
    %max3A_290 = vector.broadcast %max3A : f32 to vector<2048x64xf32>
    %max3A_291 = arith.maximumf %add3A_289, %max3A_290 : vector<2048x64xf32>
    %mul3A_292 = vector.broadcast %mul3A_280 : vector<1x64xf32> to vector<2048x64xf32>
    %mul3A_293 = arith.mulf %add3A_48, %mul3A_292 : vector<2048x64xf32>
    %add3A_294 = vector.broadcast %sub3A_285 : vector<1x64xf32> to vector<2048x64xf32>
    %add3A_295 = arith.addf %mul3A_293, %add3A_294 : vector<2048x64xf32>
    %max3A_296 = arith.constant 0.000000e+00 : f32
    %max3A_297 = vector.broadcast %max3A_296 : f32 to vector<2048x64xf32>
    %max3A_298 = arith.maximumf %add3A_295, %max3A_297 : vector<2048x64xf32>
    %mul3A_299 = vector.broadcast %mul3A_280 : vector<1x64xf32> to vector<2048x64xf32>
    %mul3A_300 = arith.mulf %add3A_73, %mul3A_299 : vector<2048x64xf32>
    %add3A_301 = vector.broadcast %sub3A_285 : vector<1x64xf32> to vector<2048x64xf32>
    %add3A_302 = arith.addf %mul3A_300, %add3A_301 : vector<2048x64xf32>
    %max3A_303 = arith.constant 0.000000e+00 : f32
    %max3A_304 = vector.broadcast %max3A_303 : f32 to vector<2048x64xf32>
    %max3A_305 = arith.maximumf %add3A_302, %max3A_304 : vector<2048x64xf32>
    %mul3A_306 = vector.broadcast %mul3A_280 : vector<1x64xf32> to vector<2048x64xf32>
    %mul3A_307 = arith.mulf %add3A_98, %mul3A_306 : vector<2048x64xf32>
    %add3A_308 = vector.broadcast %sub3A_285 : vector<1x64xf32> to vector<2048x64xf32>
    %add3A_309 = arith.addf %mul3A_307, %add3A_308 : vector<2048x64xf32>
    %max3A_310 = arith.constant 0.000000e+00 : f32
    %max3A_311 = vector.broadcast %max3A_310 : f32 to vector<2048x64xf32>
    %max3A_312 = arith.maximumf %add3A_309, %max3A_311 : vector<2048x64xf32>
    %mul3A_313 = vector.broadcast %mul3A_280 : vector<1x64xf32> to vector<2048x64xf32>
    %mul3A_314 = arith.mulf %add3A_123, %mul3A_313 : vector<2048x64xf32>
    %add3A_315 = vector.broadcast %sub3A_285 : vector<1x64xf32> to vector<2048x64xf32>
    %add3A_316 = arith.addf %mul3A_314, %add3A_315 : vector<2048x64xf32>
    %max3A_317 = arith.constant 0.000000e+00 : f32
    %max3A_318 = vector.broadcast %max3A_317 : f32 to vector<2048x64xf32>
    %max3A_319 = arith.maximumf %add3A_316, %max3A_318 : vector<2048x64xf32>
    %mul3A_320 = vector.broadcast %mul3A_280 : vector<1x64xf32> to vector<2048x64xf32>
    %mul3A_321 = arith.mulf %add3A_148, %mul3A_320 : vector<2048x64xf32>
    %add3A_322 = vector.broadcast %sub3A_285 : vector<1x64xf32> to vector<2048x64xf32>
    %add3A_323 = arith.addf %mul3A_321, %add3A_322 : vector<2048x64xf32>
    %max3A_324 = arith.constant 0.000000e+00 : f32
    %max3A_325 = vector.broadcast %max3A_324 : f32 to vector<2048x64xf32>
    %max3A_326 = arith.maximumf %add3A_323, %max3A_325 : vector<2048x64xf32>
    %mul3A_327 = vector.broadcast %mul3A_280 : vector<1x64xf32> to vector<2048x64xf32>
    %mul3A_328 = arith.mulf %add3A_173, %mul3A_327 : vector<2048x64xf32>
    %add3A_329 = vector.broadcast %sub3A_285 : vector<1x64xf32> to vector<2048x64xf32>
    %add3A_330 = arith.addf %mul3A_328, %add3A_329 : vector<2048x64xf32>
    %max3A_331 = arith.constant 0.000000e+00 : f32
    %max3A_332 = vector.broadcast %max3A_331 : f32 to vector<2048x64xf32>
    %max3A_333 = arith.maximumf %add3A_330, %max3A_332 : vector<2048x64xf32>
    %mul3A_334 = vector.broadcast %mul3A_280 : vector<1x64xf32> to vector<2048x64xf32>
    %mul3A_335 = arith.mulf %add3A_198, %mul3A_334 : vector<2048x64xf32>
    %add3A_336 = vector.broadcast %sub3A_285 : vector<1x64xf32> to vector<2048x64xf32>
    %add3A_337 = arith.addf %mul3A_335, %add3A_336 : vector<2048x64xf32>
    %max3A_338 = arith.constant 0.000000e+00 : f32
    %max3A_339 = vector.broadcast %max3A_338 : f32 to vector<2048x64xf32>
    %max3A_340 = arith.maximumf %add3A_337, %max3A_339 : vector<2048x64xf32>
    %get3A_341 = arith.constant 0 : index
    %get3A_342 = arith.constant 0 : index
    %get3A_343 = vector.load %arg8[%get3A_341, %get3A_342] : memref<64x32xf32, #tpu.memory_space<vmem>>, vector<64x32xf32>
    %dot_general3A_344 = arith.constant dense<0.000000e+00> : vector<2048x32xf32>
    %dot_general3A_345 = tpu.matmul %max3A_291, %get3A_343, %dot_general3A_344 {dimension_numbers = #tpu.dot_dimension_numbers<[1], [0], [0], [1], [0, 0, 1, 1], [], []>, transpose_lhs_hint = false} : vector<2048x64xf32>, vector<64x32xf32>, vector<2048x32xf32> -> vector<2048x32xf32>
    %get3A_346 = arith.constant 0 : index
    %get3A_347 = arith.constant 0 : index
    %get3A_348 = vector.load %arg8[%get3A_346, %get3A_347] : memref<64x32xf32, #tpu.memory_space<vmem>>, vector<64x32xf32>
    %dot_general3A_349 = arith.constant dense<0.000000e+00> : vector<2048x32xf32>
    %dot_general3A_350 = tpu.matmul %max3A_298, %get3A_348, %dot_general3A_349 {dimension_numbers = #tpu.dot_dimension_numbers<[1], [0], [0], [1], [0, 0, 1, 1], [], []>, transpose_lhs_hint = false} : vector<2048x64xf32>, vector<64x32xf32>, vector<2048x32xf32> -> vector<2048x32xf32>
    %get3A_351 = arith.constant 0 : index
    %get3A_352 = arith.constant 0 : index
    %get3A_353 = vector.load %arg8[%get3A_351, %get3A_352] : memref<64x32xf32, #tpu.memory_space<vmem>>, vector<64x32xf32>
    %dot_general3A_354 = arith.constant dense<0.000000e+00> : vector<2048x32xf32>
    %dot_general3A_355 = tpu.matmul %max3A_305, %get3A_353, %dot_general3A_354 {dimension_numbers = #tpu.dot_dimension_numbers<[1], [0], [0], [1], [0, 0, 1, 1], [], []>, transpose_lhs_hint = false} : vector<2048x64xf32>, vector<64x32xf32>, vector<2048x32xf32> -> vector<2048x32xf32>
    %get3A_356 = arith.constant 0 : index
    %get3A_357 = arith.constant 0 : index
    %get3A_358 = vector.load %arg8[%get3A_356, %get3A_357] : memref<64x32xf32, #tpu.memory_space<vmem>>, vector<64x32xf32>
    %dot_general3A_359 = arith.constant dense<0.000000e+00> : vector<2048x32xf32>
    %dot_general3A_360 = tpu.matmul %max3A_312, %get3A_358, %dot_general3A_359 {dimension_numbers = #tpu.dot_dimension_numbers<[1], [0], [0], [1], [0, 0, 1, 1], [], []>, transpose_lhs_hint = false} : vector<2048x64xf32>, vector<64x32xf32>, vector<2048x32xf32> -> vector<2048x32xf32>
    %get3A_361 = arith.constant 0 : index
    %get3A_362 = arith.constant 0 : index
    %get3A_363 = vector.load %arg8[%get3A_361, %get3A_362] : memref<64x32xf32, #tpu.memory_space<vmem>>, vector<64x32xf32>
    %dot_general3A_364 = arith.constant dense<0.000000e+00> : vector<2048x32xf32>
    %dot_general3A_365 = tpu.matmul %max3A_319, %get3A_363, %dot_general3A_364 {dimension_numbers = #tpu.dot_dimension_numbers<[1], [0], [0], [1], [0, 0, 1, 1], [], []>, transpose_lhs_hint = false} : vector<2048x64xf32>, vector<64x32xf32>, vector<2048x32xf32> -> vector<2048x32xf32>
    %get3A_366 = arith.constant 0 : index
    %get3A_367 = arith.constant 0 : index
    %get3A_368 = vector.load %arg8[%get3A_366, %get3A_367] : memref<64x32xf32, #tpu.memory_space<vmem>>, vector<64x32xf32>
    %dot_general3A_369 = arith.constant dense<0.000000e+00> : vector<2048x32xf32>
    %dot_general3A_370 = tpu.matmul %max3A_326, %get3A_368, %dot_general3A_369 {dimension_numbers = #tpu.dot_dimension_numbers<[1], [0], [0], [1], [0, 0, 1, 1], [], []>, transpose_lhs_hint = false} : vector<2048x64xf32>, vector<64x32xf32>, vector<2048x32xf32> -> vector<2048x32xf32>
    %get3A_371 = arith.constant 0 : index
    %get3A_372 = arith.constant 0 : index
    %get3A_373 = vector.load %arg8[%get3A_371, %get3A_372] : memref<64x32xf32, #tpu.memory_space<vmem>>, vector<64x32xf32>
    %dot_general3A_374 = arith.constant dense<0.000000e+00> : vector<2048x32xf32>
    %dot_general3A_375 = tpu.matmul %max3A_333, %get3A_373, %dot_general3A_374 {dimension_numbers = #tpu.dot_dimension_numbers<[1], [0], [0], [1], [0, 0, 1, 1], [], []>, transpose_lhs_hint = false} : vector<2048x64xf32>, vector<64x32xf32>, vector<2048x32xf32> -> vector<2048x32xf32>
    %get3A_376 = arith.constant 0 : index
    %get3A_377 = arith.constant 0 : index
    %get3A_378 = vector.load %arg8[%get3A_376, %get3A_377] : memref<64x32xf32, #tpu.memory_space<vmem>>, vector<64x32xf32>
    %dot_general3A_379 = arith.constant dense<0.000000e+00> : vector<2048x32xf32>
    %dot_general3A_380 = tpu.matmul %max3A_340, %get3A_378, %dot_general3A_379 {dimension_numbers = #tpu.dot_dimension_numbers<[1], [0], [0], [1], [0, 0, 1, 1], [], []>, transpose_lhs_hint = false} : vector<2048x64xf32>, vector<64x32xf32>, vector<2048x32xf32> -> vector<2048x32xf32>
    %reduce_sum3A_381 = arith.constant dense<0.000000e+00> : vector<32xf32>
    %reduce_sum3A_382 = vector.multi_reduction <add>, %dot_general3A_345, %reduce_sum3A_381 [0] : vector<2048x32xf32> to vector<32xf32>
    %broadcast_in_dim3A_383 = vector.shape_cast %reduce_sum3A_382 : vector<32xf32> to vector<1x32xf32>
    %mul3A_384 = arith.mulf %dot_general3A_345, %dot_general3A_345 : vector<2048x32xf32>
    %reduce_sum3A_385 = arith.constant dense<0.000000e+00> : vector<32xf32>
    %reduce_sum3A_386 = vector.multi_reduction <add>, %mul3A_384, %reduce_sum3A_385 [0] : vector<2048x32xf32> to vector<32xf32>
    %broadcast_in_dim3A_387 = vector.shape_cast %reduce_sum3A_386 : vector<32xf32> to vector<1x32xf32>
    %reduce_sum3A_388 = arith.constant dense<0.000000e+00> : vector<32xf32>
    %reduce_sum3A_389 = vector.multi_reduction <add>, %dot_general3A_350, %reduce_sum3A_388 [0] : vector<2048x32xf32> to vector<32xf32>
    %broadcast_in_dim3A_390 = vector.shape_cast %reduce_sum3A_389 : vector<32xf32> to vector<1x32xf32>
    %add3A_391 = arith.addf %broadcast_in_dim3A_383, %broadcast_in_dim3A_390 : vector<1x32xf32>
    %mul3A_392 = arith.mulf %dot_general3A_350, %dot_general3A_350 : vector<2048x32xf32>
    %reduce_sum3A_393 = arith.constant dense<0.000000e+00> : vector<32xf32>
    %reduce_sum3A_394 = vector.multi_reduction <add>, %mul3A_392, %reduce_sum3A_393 [0] : vector<2048x32xf32> to vector<32xf32>
    %broadcast_in_dim3A_395 = vector.shape_cast %reduce_sum3A_394 : vector<32xf32> to vector<1x32xf32>
    %add3A_396 = arith.addf %broadcast_in_dim3A_387, %broadcast_in_dim3A_395 : vector<1x32xf32>
    %reduce_sum3A_397 = arith.constant dense<0.000000e+00> : vector<32xf32>
    %reduce_sum3A_398 = vector.multi_reduction <add>, %dot_general3A_355, %reduce_sum3A_397 [0] : vector<2048x32xf32> to vector<32xf32>
    %broadcast_in_dim3A_399 = vector.shape_cast %reduce_sum3A_398 : vector<32xf32> to vector<1x32xf32>
    %add3A_400 = arith.addf %add3A_391, %broadcast_in_dim3A_399 : vector<1x32xf32>
    %mul3A_401 = arith.mulf %dot_general3A_355, %dot_general3A_355 : vector<2048x32xf32>
    %reduce_sum3A_402 = arith.constant dense<0.000000e+00> : vector<32xf32>
    %reduce_sum3A_403 = vector.multi_reduction <add>, %mul3A_401, %reduce_sum3A_402 [0] : vector<2048x32xf32> to vector<32xf32>
    %broadcast_in_dim3A_404 = vector.shape_cast %reduce_sum3A_403 : vector<32xf32> to vector<1x32xf32>
    %add3A_405 = arith.addf %add3A_396, %broadcast_in_dim3A_404 : vector<1x32xf32>
    %reduce_sum3A_406 = arith.constant dense<0.000000e+00> : vector<32xf32>
    %reduce_sum3A_407 = vector.multi_reduction <add>, %dot_general3A_360, %reduce_sum3A_406 [0] : vector<2048x32xf32> to vector<32xf32>
    %broadcast_in_dim3A_408 = vector.shape_cast %reduce_sum3A_407 : vector<32xf32> to vector<1x32xf32>
    %add3A_409 = arith.addf %add3A_400, %broadcast_in_dim3A_408 : vector<1x32xf32>
    %mul3A_410 = arith.mulf %dot_general3A_360, %dot_general3A_360 : vector<2048x32xf32>
    %reduce_sum3A_411 = arith.constant dense<0.000000e+00> : vector<32xf32>
    %reduce_sum3A_412 = vector.multi_reduction <add>, %mul3A_410, %reduce_sum3A_411 [0] : vector<2048x32xf32> to vector<32xf32>
    %broadcast_in_dim3A_413 = vector.shape_cast %reduce_sum3A_412 : vector<32xf32> to vector<1x32xf32>
    %add3A_414 = arith.addf %add3A_405, %broadcast_in_dim3A_413 : vector<1x32xf32>
    %reduce_sum3A_415 = arith.constant dense<0.000000e+00> : vector<32xf32>
    %reduce_sum3A_416 = vector.multi_reduction <add>, %dot_general3A_365, %reduce_sum3A_415 [0] : vector<2048x32xf32> to vector<32xf32>
    %broadcast_in_dim3A_417 = vector.shape_cast %reduce_sum3A_416 : vector<32xf32> to vector<1x32xf32>
    %add3A_418 = arith.addf %add3A_409, %broadcast_in_dim3A_417 : vector<1x32xf32>
    %mul3A_419 = arith.mulf %dot_general3A_365, %dot_general3A_365 : vector<2048x32xf32>
    %reduce_sum3A_420 = arith.constant dense<0.000000e+00> : vector<32xf32>
    %reduce_sum3A_421 = vector.multi_reduction <add>, %mul3A_419, %reduce_sum3A_420 [0] : vector<2048x32xf32> to vector<32xf32>
    %broadcast_in_dim3A_422 = vector.shape_cast %reduce_sum3A_421 : vector<32xf32> to vector<1x32xf32>
    %add3A_423 = arith.addf %add3A_414, %broadcast_in_dim3A_422 : vector<1x32xf32>
    %reduce_sum3A_424 = arith.constant dense<0.000000e+00> : vector<32xf32>
    %reduce_sum3A_425 = vector.multi_reduction <add>, %dot_general3A_370, %reduce_sum3A_424 [0] : vector<2048x32xf32> to vector<32xf32>
    %broadcast_in_dim3A_426 = vector.shape_cast %reduce_sum3A_425 : vector<32xf32> to vector<1x32xf32>
    %add3A_427 = arith.addf %add3A_418, %broadcast_in_dim3A_426 : vector<1x32xf32>
    %mul3A_428 = arith.mulf %dot_general3A_370, %dot_general3A_370 : vector<2048x32xf32>
    %reduce_sum3A_429 = arith.constant dense<0.000000e+00> : vector<32xf32>
    %reduce_sum3A_430 = vector.multi_reduction <add>, %mul3A_428, %reduce_sum3A_429 [0] : vector<2048x32xf32> to vector<32xf32>
    %broadcast_in_dim3A_431 = vector.shape_cast %reduce_sum3A_430 : vector<32xf32> to vector<1x32xf32>
    %add3A_432 = arith.addf %add3A_423, %broadcast_in_dim3A_431 : vector<1x32xf32>
    %reduce_sum3A_433 = arith.constant dense<0.000000e+00> : vector<32xf32>
    %reduce_sum3A_434 = vector.multi_reduction <add>, %dot_general3A_375, %reduce_sum3A_433 [0] : vector<2048x32xf32> to vector<32xf32>
    %broadcast_in_dim3A_435 = vector.shape_cast %reduce_sum3A_434 : vector<32xf32> to vector<1x32xf32>
    %add3A_436 = arith.addf %add3A_427, %broadcast_in_dim3A_435 : vector<1x32xf32>
    %mul3A_437 = arith.mulf %dot_general3A_375, %dot_general3A_375 : vector<2048x32xf32>
    %reduce_sum3A_438 = arith.constant dense<0.000000e+00> : vector<32xf32>
    %reduce_sum3A_439 = vector.multi_reduction <add>, %mul3A_437, %reduce_sum3A_438 [0] : vector<2048x32xf32> to vector<32xf32>
    %broadcast_in_dim3A_440 = vector.shape_cast %reduce_sum3A_439 : vector<32xf32> to vector<1x32xf32>
    %add3A_441 = arith.addf %add3A_432, %broadcast_in_dim3A_440 : vector<1x32xf32>
    %reduce_sum3A_442 = arith.constant dense<0.000000e+00> : vector<32xf32>
    %reduce_sum3A_443 = vector.multi_reduction <add>, %dot_general3A_380, %reduce_sum3A_442 [0] : vector<2048x32xf32> to vector<32xf32>
    %broadcast_in_dim3A_444 = vector.shape_cast %reduce_sum3A_443 : vector<32xf32> to vector<1x32xf32>
    %add3A_445 = arith.addf %add3A_436, %broadcast_in_dim3A_444 : vector<1x32xf32>
    %mul3A_446 = arith.mulf %dot_general3A_380, %dot_general3A_380 : vector<2048x32xf32>
    %reduce_sum3A_447 = arith.constant dense<0.000000e+00> : vector<32xf32>
    %reduce_sum3A_448 = vector.multi_reduction <add>, %mul3A_446, %reduce_sum3A_447 [0] : vector<2048x32xf32> to vector<32xf32>
    %broadcast_in_dim3A_449 = vector.shape_cast %reduce_sum3A_448 : vector<32xf32> to vector<1x32xf32>
    %add3A_450 = arith.addf %add3A_441, %broadcast_in_dim3A_449 : vector<1x32xf32>
    %mul3A_451 = arith.constant 6.10351563E-5 : f32
    %mul3A_452 = vector.broadcast %mul3A_451 : f32 to vector<1x32xf32>
    %mul3A_453 = arith.mulf %add3A_445, %mul3A_452 : vector<1x32xf32>
    %mul3A_454 = arith.constant 6.10351563E-5 : f32
    %mul3A_455 = vector.broadcast %mul3A_454 : f32 to vector<1x32xf32>
    %mul3A_456 = arith.mulf %add3A_450, %mul3A_455 : vector<1x32xf32>
    %mul3A_457 = arith.mulf %mul3A_453, %mul3A_453 : vector<1x32xf32>
    %sub3A_458 = arith.subf %mul3A_456, %mul3A_457 : vector<1x32xf32>
    %get3A_459 = arith.constant 0 : index
    %get3A_460 = arith.constant 0 : index
    %get3A_461 = vector.load %arg9[%get3A_459, %get3A_460] : memref<1x32xf32, #tpu.memory_space<vmem>>, vector<1x32xf32>
    %add3A_462 = arith.constant 9.99999974E-6 : f32
    %add3A_463 = vector.broadcast %add3A_462 : f32 to vector<1x32xf32>
    %add3A_464 = arith.addf %sub3A_458, %add3A_463 : vector<1x32xf32>
    %rsqrt3A_465 = math.rsqrt %add3A_464 : vector<1x32xf32>
    %mul3A_466 = arith.mulf %get3A_461, %rsqrt3A_465 : vector<1x32xf32>
    %get3A_467 = arith.constant 0 : index
    %get3A_468 = arith.constant 0 : index
    %get3A_469 = vector.load %arg10[%get3A_467, %get3A_468] : memref<1x32xf32, #tpu.memory_space<vmem>>, vector<1x32xf32>
    %mul3A_470 = arith.mulf %mul3A_453, %mul3A_466 : vector<1x32xf32>
    %sub3A_471 = arith.subf %get3A_469, %mul3A_470 : vector<1x32xf32>
    %mul3A_472 = vector.broadcast %mul3A_466 : vector<1x32xf32> to vector<2048x32xf32>
    %mul3A_473 = arith.mulf %dot_general3A_345, %mul3A_472 : vector<2048x32xf32>
    %add3A_474 = vector.broadcast %sub3A_471 : vector<1x32xf32> to vector<2048x32xf32>
    %add3A_475 = arith.addf %mul3A_473, %add3A_474 : vector<2048x32xf32>
    %max3A_476 = arith.constant 0.000000e+00 : f32
    %max3A_477 = vector.broadcast %max3A_476 : f32 to vector<2048x32xf32>
    %max3A_478 = arith.maximumf %add3A_475, %max3A_477 : vector<2048x32xf32>
    %mul3A_479 = vector.broadcast %mul3A_466 : vector<1x32xf32> to vector<2048x32xf32>
    %mul3A_480 = arith.mulf %dot_general3A_350, %mul3A_479 : vector<2048x32xf32>
    %add3A_481 = vector.broadcast %sub3A_471 : vector<1x32xf32> to vector<2048x32xf32>
    %add3A_482 = arith.addf %mul3A_480, %add3A_481 : vector<2048x32xf32>
    %max3A_483 = arith.constant 0.000000e+00 : f32
    %max3A_484 = vector.broadcast %max3A_483 : f32 to vector<2048x32xf32>
    %max3A_485 = arith.maximumf %add3A_482, %max3A_484 : vector<2048x32xf32>
    %mul3A_486 = vector.broadcast %mul3A_466 : vector<1x32xf32> to vector<2048x32xf32>
    %mul3A_487 = arith.mulf %dot_general3A_355, %mul3A_486 : vector<2048x32xf32>
    %add3A_488 = vector.broadcast %sub3A_471 : vector<1x32xf32> to vector<2048x32xf32>
    %add3A_489 = arith.addf %mul3A_487, %add3A_488 : vector<2048x32xf32>
    %max3A_490 = arith.constant 0.000000e+00 : f32
    %max3A_491 = vector.broadcast %max3A_490 : f32 to vector<2048x32xf32>
    %max3A_492 = arith.maximumf %add3A_489, %max3A_491 : vector<2048x32xf32>
    %mul3A_493 = vector.broadcast %mul3A_466 : vector<1x32xf32> to vector<2048x32xf32>
    %mul3A_494 = arith.mulf %dot_general3A_360, %mul3A_493 : vector<2048x32xf32>
    %add3A_495 = vector.broadcast %sub3A_471 : vector<1x32xf32> to vector<2048x32xf32>
    %add3A_496 = arith.addf %mul3A_494, %add3A_495 : vector<2048x32xf32>
    %max3A_497 = arith.constant 0.000000e+00 : f32
    %max3A_498 = vector.broadcast %max3A_497 : f32 to vector<2048x32xf32>
    %max3A_499 = arith.maximumf %add3A_496, %max3A_498 : vector<2048x32xf32>
    %mul3A_500 = vector.broadcast %mul3A_466 : vector<1x32xf32> to vector<2048x32xf32>
    %mul3A_501 = arith.mulf %dot_general3A_365, %mul3A_500 : vector<2048x32xf32>
    %add3A_502 = vector.broadcast %sub3A_471 : vector<1x32xf32> to vector<2048x32xf32>
    %add3A_503 = arith.addf %mul3A_501, %add3A_502 : vector<2048x32xf32>
    %max3A_504 = arith.constant 0.000000e+00 : f32
    %max3A_505 = vector.broadcast %max3A_504 : f32 to vector<2048x32xf32>
    %max3A_506 = arith.maximumf %add3A_503, %max3A_505 : vector<2048x32xf32>
    %mul3A_507 = vector.broadcast %mul3A_466 : vector<1x32xf32> to vector<2048x32xf32>
    %mul3A_508 = arith.mulf %dot_general3A_370, %mul3A_507 : vector<2048x32xf32>
    %add3A_509 = vector.broadcast %sub3A_471 : vector<1x32xf32> to vector<2048x32xf32>
    %add3A_510 = arith.addf %mul3A_508, %add3A_509 : vector<2048x32xf32>
    %max3A_511 = arith.constant 0.000000e+00 : f32
    %max3A_512 = vector.broadcast %max3A_511 : f32 to vector<2048x32xf32>
    %max3A_513 = arith.maximumf %add3A_510, %max3A_512 : vector<2048x32xf32>
    %mul3A_514 = vector.broadcast %mul3A_466 : vector<1x32xf32> to vector<2048x32xf32>
    %mul3A_515 = arith.mulf %dot_general3A_375, %mul3A_514 : vector<2048x32xf32>
    %add3A_516 = vector.broadcast %sub3A_471 : vector<1x32xf32> to vector<2048x32xf32>
    %add3A_517 = arith.addf %mul3A_515, %add3A_516 : vector<2048x32xf32>
    %max3A_518 = arith.constant 0.000000e+00 : f32
    %max3A_519 = vector.broadcast %max3A_518 : f32 to vector<2048x32xf32>
    %max3A_520 = arith.maximumf %add3A_517, %max3A_519 : vector<2048x32xf32>
    %mul3A_521 = vector.broadcast %mul3A_466 : vector<1x32xf32> to vector<2048x32xf32>
    %mul3A_522 = arith.mulf %dot_general3A_380, %mul3A_521 : vector<2048x32xf32>
    %add3A_523 = vector.broadcast %sub3A_471 : vector<1x32xf32> to vector<2048x32xf32>
    %add3A_524 = arith.addf %mul3A_522, %add3A_523 : vector<2048x32xf32>
    %max3A_525 = arith.constant 0.000000e+00 : f32
    %max3A_526 = vector.broadcast %max3A_525 : f32 to vector<2048x32xf32>
    %max3A_527 = arith.maximumf %add3A_524, %max3A_526 : vector<2048x32xf32>
    %get3A_528 = arith.constant 0 : index
    %get3A_529 = arith.constant 0 : index
    %get3A_530 = vector.load %arg11[%get3A_528, %get3A_529] : memref<32x16xf32, #tpu.memory_space<vmem>>, vector<32x16xf32>
    %dot_general3A_531 = arith.constant dense<0.000000e+00> : vector<2048x16xf32>
    %dot_general3A_532 = tpu.matmul %max3A_478, %get3A_530, %dot_general3A_531 {dimension_numbers = #tpu.dot_dimension_numbers<[1], [0], [0], [1], [0, 0, 1, 1], [], []>, transpose_lhs_hint = false} : vector<2048x32xf32>, vector<32x16xf32>, vector<2048x16xf32> -> vector<2048x16xf32>
    %get3A_533 = arith.constant 0 : index
    %get3A_534 = arith.constant 0 : index
    %get3A_535 = vector.load %arg11[%get3A_533, %get3A_534] : memref<32x16xf32, #tpu.memory_space<vmem>>, vector<32x16xf32>
    %dot_general3A_536 = arith.constant dense<0.000000e+00> : vector<2048x16xf32>
    %dot_general3A_537 = tpu.matmul %max3A_485, %get3A_535, %dot_general3A_536 {dimension_numbers = #tpu.dot_dimension_numbers<[1], [0], [0], [1], [0, 0, 1, 1], [], []>, transpose_lhs_hint = false} : vector<2048x32xf32>, vector<32x16xf32>, vector<2048x16xf32> -> vector<2048x16xf32>
    %get3A_538 = arith.constant 0 : index
    %get3A_539 = arith.constant 0 : index
    %get3A_540 = vector.load %arg11[%get3A_538, %get3A_539] : memref<32x16xf32, #tpu.memory_space<vmem>>, vector<32x16xf32>
    %dot_general3A_541 = arith.constant dense<0.000000e+00> : vector<2048x16xf32>
    %dot_general3A_542 = tpu.matmul %max3A_492, %get3A_540, %dot_general3A_541 {dimension_numbers = #tpu.dot_dimension_numbers<[1], [0], [0], [1], [0, 0, 1, 1], [], []>, transpose_lhs_hint = false} : vector<2048x32xf32>, vector<32x16xf32>, vector<2048x16xf32> -> vector<2048x16xf32>
    %get3A_543 = arith.constant 0 : index
    %get3A_544 = arith.constant 0 : index
    %get3A_545 = vector.load %arg11[%get3A_543, %get3A_544] : memref<32x16xf32, #tpu.memory_space<vmem>>, vector<32x16xf32>
    %dot_general3A_546 = arith.constant dense<0.000000e+00> : vector<2048x16xf32>
    %dot_general3A_547 = tpu.matmul %max3A_499, %get3A_545, %dot_general3A_546 {dimension_numbers = #tpu.dot_dimension_numbers<[1], [0], [0], [1], [0, 0, 1, 1], [], []>, transpose_lhs_hint = false} : vector<2048x32xf32>, vector<32x16xf32>, vector<2048x16xf32> -> vector<2048x16xf32>
    %get3A_548 = arith.constant 0 : index
    %get3A_549 = arith.constant 0 : index
    %get3A_550 = vector.load %arg11[%get3A_548, %get3A_549] : memref<32x16xf32, #tpu.memory_space<vmem>>, vector<32x16xf32>
    %dot_general3A_551 = arith.constant dense<0.000000e+00> : vector<2048x16xf32>
    %dot_general3A_552 = tpu.matmul %max3A_506, %get3A_550, %dot_general3A_551 {dimension_numbers = #tpu.dot_dimension_numbers<[1], [0], [0], [1], [0, 0, 1, 1], [], []>, transpose_lhs_hint = false} : vector<2048x32xf32>, vector<32x16xf32>, vector<2048x16xf32> -> vector<2048x16xf32>
    %get3A_553 = arith.constant 0 : index
    %get3A_554 = arith.constant 0 : index
    %get3A_555 = vector.load %arg11[%get3A_553, %get3A_554] : memref<32x16xf32, #tpu.memory_space<vmem>>, vector<32x16xf32>
    %dot_general3A_556 = arith.constant dense<0.000000e+00> : vector<2048x16xf32>
    %dot_general3A_557 = tpu.matmul %max3A_513, %get3A_555, %dot_general3A_556 {dimension_numbers = #tpu.dot_dimension_numbers<[1], [0], [0], [1], [0, 0, 1, 1], [], []>, transpose_lhs_hint = false} : vector<2048x32xf32>, vector<32x16xf32>, vector<2048x16xf32> -> vector<2048x16xf32>
    %get3A_558 = arith.constant 0 : index
    %get3A_559 = arith.constant 0 : index
    %get3A_560 = vector.load %arg11[%get3A_558, %get3A_559] : memref<32x16xf32, #tpu.memory_space<vmem>>, vector<32x16xf32>
    %dot_general3A_561 = arith.constant dense<0.000000e+00> : vector<2048x16xf32>
    %dot_general3A_562 = tpu.matmul %max3A_520, %get3A_560, %dot_general3A_561 {dimension_numbers = #tpu.dot_dimension_numbers<[1], [0], [0], [1], [0, 0, 1, 1], [], []>, transpose_lhs_hint = false} : vector<2048x32xf32>, vector<32x16xf32>, vector<2048x16xf32> -> vector<2048x16xf32>
    %get3A_563 = arith.constant 0 : index
    %get3A_564 = arith.constant 0 : index
    %get3A_565 = vector.load %arg11[%get3A_563, %get3A_564] : memref<32x16xf32, #tpu.memory_space<vmem>>, vector<32x16xf32>
    %dot_general3A_566 = arith.constant dense<0.000000e+00> : vector<2048x16xf32>
    %dot_general3A_567 = tpu.matmul %max3A_527, %get3A_565, %dot_general3A_566 {dimension_numbers = #tpu.dot_dimension_numbers<[1], [0], [0], [1], [0, 0, 1, 1], [], []>, transpose_lhs_hint = false} : vector<2048x32xf32>, vector<32x16xf32>, vector<2048x16xf32> -> vector<2048x16xf32>
    %reduce_sum3A_568 = arith.constant dense<0.000000e+00> : vector<16xf32>
    %reduce_sum3A_569 = vector.multi_reduction <add>, %dot_general3A_532, %reduce_sum3A_568 [0] : vector<2048x16xf32> to vector<16xf32>
    %broadcast_in_dim3A_570 = vector.shape_cast %reduce_sum3A_569 : vector<16xf32> to vector<1x16xf32>
    %mul3A_571 = arith.mulf %dot_general3A_532, %dot_general3A_532 : vector<2048x16xf32>
    %reduce_sum3A_572 = arith.constant dense<0.000000e+00> : vector<16xf32>
    %reduce_sum3A_573 = vector.multi_reduction <add>, %mul3A_571, %reduce_sum3A_572 [0] : vector<2048x16xf32> to vector<16xf32>
    %broadcast_in_dim3A_574 = vector.shape_cast %reduce_sum3A_573 : vector<16xf32> to vector<1x16xf32>
    %reduce_sum3A_575 = arith.constant dense<0.000000e+00> : vector<16xf32>
    %reduce_sum3A_576 = vector.multi_reduction <add>, %dot_general3A_537, %reduce_sum3A_575 [0] : vector<2048x16xf32> to vector<16xf32>
    %broadcast_in_dim3A_577 = vector.shape_cast %reduce_sum3A_576 : vector<16xf32> to vector<1x16xf32>
    %add3A_578 = arith.addf %broadcast_in_dim3A_570, %broadcast_in_dim3A_577 : vector<1x16xf32>
    %mul3A_579 = arith.mulf %dot_general3A_537, %dot_general3A_537 : vector<2048x16xf32>
    %reduce_sum3A_580 = arith.constant dense<0.000000e+00> : vector<16xf32>
    %reduce_sum3A_581 = vector.multi_reduction <add>, %mul3A_579, %reduce_sum3A_580 [0] : vector<2048x16xf32> to vector<16xf32>
    %broadcast_in_dim3A_582 = vector.shape_cast %reduce_sum3A_581 : vector<16xf32> to vector<1x16xf32>
    %add3A_583 = arith.addf %broadcast_in_dim3A_574, %broadcast_in_dim3A_582 : vector<1x16xf32>
    %reduce_sum3A_584 = arith.constant dense<0.000000e+00> : vector<16xf32>
    %reduce_sum3A_585 = vector.multi_reduction <add>, %dot_general3A_542, %reduce_sum3A_584 [0] : vector<2048x16xf32> to vector<16xf32>
    %broadcast_in_dim3A_586 = vector.shape_cast %reduce_sum3A_585 : vector<16xf32> to vector<1x16xf32>
    %add3A_587 = arith.addf %add3A_578, %broadcast_in_dim3A_586 : vector<1x16xf32>
    %mul3A_588 = arith.mulf %dot_general3A_542, %dot_general3A_542 : vector<2048x16xf32>
    %reduce_sum3A_589 = arith.constant dense<0.000000e+00> : vector<16xf32>
    %reduce_sum3A_590 = vector.multi_reduction <add>, %mul3A_588, %reduce_sum3A_589 [0] : vector<2048x16xf32> to vector<16xf32>
    %broadcast_in_dim3A_591 = vector.shape_cast %reduce_sum3A_590 : vector<16xf32> to vector<1x16xf32>
    %add3A_592 = arith.addf %add3A_583, %broadcast_in_dim3A_591 : vector<1x16xf32>
    %reduce_sum3A_593 = arith.constant dense<0.000000e+00> : vector<16xf32>
    %reduce_sum3A_594 = vector.multi_reduction <add>, %dot_general3A_547, %reduce_sum3A_593 [0] : vector<2048x16xf32> to vector<16xf32>
    %broadcast_in_dim3A_595 = vector.shape_cast %reduce_sum3A_594 : vector<16xf32> to vector<1x16xf32>
    %add3A_596 = arith.addf %add3A_587, %broadcast_in_dim3A_595 : vector<1x16xf32>
    %mul3A_597 = arith.mulf %dot_general3A_547, %dot_general3A_547 : vector<2048x16xf32>
    %reduce_sum3A_598 = arith.constant dense<0.000000e+00> : vector<16xf32>
    %reduce_sum3A_599 = vector.multi_reduction <add>, %mul3A_597, %reduce_sum3A_598 [0] : vector<2048x16xf32> to vector<16xf32>
    %broadcast_in_dim3A_600 = vector.shape_cast %reduce_sum3A_599 : vector<16xf32> to vector<1x16xf32>
    %add3A_601 = arith.addf %add3A_592, %broadcast_in_dim3A_600 : vector<1x16xf32>
    %reduce_sum3A_602 = arith.constant dense<0.000000e+00> : vector<16xf32>
    %reduce_sum3A_603 = vector.multi_reduction <add>, %dot_general3A_552, %reduce_sum3A_602 [0] : vector<2048x16xf32> to vector<16xf32>
    %broadcast_in_dim3A_604 = vector.shape_cast %reduce_sum3A_603 : vector<16xf32> to vector<1x16xf32>
    %add3A_605 = arith.addf %add3A_596, %broadcast_in_dim3A_604 : vector<1x16xf32>
    %mul3A_606 = arith.mulf %dot_general3A_552, %dot_general3A_552 : vector<2048x16xf32>
    %reduce_sum3A_607 = arith.constant dense<0.000000e+00> : vector<16xf32>
    %reduce_sum3A_608 = vector.multi_reduction <add>, %mul3A_606, %reduce_sum3A_607 [0] : vector<2048x16xf32> to vector<16xf32>
    %broadcast_in_dim3A_609 = vector.shape_cast %reduce_sum3A_608 : vector<16xf32> to vector<1x16xf32>
    %add3A_610 = arith.addf %add3A_601, %broadcast_in_dim3A_609 : vector<1x16xf32>
    %reduce_sum3A_611 = arith.constant dense<0.000000e+00> : vector<16xf32>
    %reduce_sum3A_612 = vector.multi_reduction <add>, %dot_general3A_557, %reduce_sum3A_611 [0] : vector<2048x16xf32> to vector<16xf32>
    %broadcast_in_dim3A_613 = vector.shape_cast %reduce_sum3A_612 : vector<16xf32> to vector<1x16xf32>
    %add3A_614 = arith.addf %add3A_605, %broadcast_in_dim3A_613 : vector<1x16xf32>
    %mul3A_615 = arith.mulf %dot_general3A_557, %dot_general3A_557 : vector<2048x16xf32>
    %reduce_sum3A_616 = arith.constant dense<0.000000e+00> : vector<16xf32>
    %reduce_sum3A_617 = vector.multi_reduction <add>, %mul3A_615, %reduce_sum3A_616 [0] : vector<2048x16xf32> to vector<16xf32>
    %broadcast_in_dim3A_618 = vector.shape_cast %reduce_sum3A_617 : vector<16xf32> to vector<1x16xf32>
    %add3A_619 = arith.addf %add3A_610, %broadcast_in_dim3A_618 : vector<1x16xf32>
    %reduce_sum3A_620 = arith.constant dense<0.000000e+00> : vector<16xf32>
    %reduce_sum3A_621 = vector.multi_reduction <add>, %dot_general3A_562, %reduce_sum3A_620 [0] : vector<2048x16xf32> to vector<16xf32>
    %broadcast_in_dim3A_622 = vector.shape_cast %reduce_sum3A_621 : vector<16xf32> to vector<1x16xf32>
    %add3A_623 = arith.addf %add3A_614, %broadcast_in_dim3A_622 : vector<1x16xf32>
    %mul3A_624 = arith.mulf %dot_general3A_562, %dot_general3A_562 : vector<2048x16xf32>
    %reduce_sum3A_625 = arith.constant dense<0.000000e+00> : vector<16xf32>
    %reduce_sum3A_626 = vector.multi_reduction <add>, %mul3A_624, %reduce_sum3A_625 [0] : vector<2048x16xf32> to vector<16xf32>
    %broadcast_in_dim3A_627 = vector.shape_cast %reduce_sum3A_626 : vector<16xf32> to vector<1x16xf32>
    %add3A_628 = arith.addf %add3A_619, %broadcast_in_dim3A_627 : vector<1x16xf32>
    %reduce_sum3A_629 = arith.constant dense<0.000000e+00> : vector<16xf32>
    %reduce_sum3A_630 = vector.multi_reduction <add>, %dot_general3A_567, %reduce_sum3A_629 [0] : vector<2048x16xf32> to vector<16xf32>
    %broadcast_in_dim3A_631 = vector.shape_cast %reduce_sum3A_630 : vector<16xf32> to vector<1x16xf32>
    %add3A_632 = arith.addf %add3A_623, %broadcast_in_dim3A_631 : vector<1x16xf32>
    %mul3A_633 = arith.mulf %dot_general3A_567, %dot_general3A_567 : vector<2048x16xf32>
    %reduce_sum3A_634 = arith.constant dense<0.000000e+00> : vector<16xf32>
    %reduce_sum3A_635 = vector.multi_reduction <add>, %mul3A_633, %reduce_sum3A_634 [0] : vector<2048x16xf32> to vector<16xf32>
    %broadcast_in_dim3A_636 = vector.shape_cast %reduce_sum3A_635 : vector<16xf32> to vector<1x16xf32>
    %add3A_637 = arith.addf %add3A_628, %broadcast_in_dim3A_636 : vector<1x16xf32>
    %mul3A_638 = arith.constant 6.10351563E-5 : f32
    %mul3A_639 = vector.broadcast %mul3A_638 : f32 to vector<1x16xf32>
    %mul3A_640 = arith.mulf %add3A_632, %mul3A_639 : vector<1x16xf32>
    %mul3A_641 = arith.constant 6.10351563E-5 : f32
    %mul3A_642 = vector.broadcast %mul3A_641 : f32 to vector<1x16xf32>
    %mul3A_643 = arith.mulf %add3A_637, %mul3A_642 : vector<1x16xf32>
    %mul3A_644 = arith.mulf %mul3A_640, %mul3A_640 : vector<1x16xf32>
    %sub3A_645 = arith.subf %mul3A_643, %mul3A_644 : vector<1x16xf32>
    %get3A_646 = arith.constant 0 : index
    %get3A_647 = arith.constant 0 : index
    %get3A_648 = vector.load %arg12[%get3A_646, %get3A_647] : memref<1x16xf32, #tpu.memory_space<vmem>>, vector<1x16xf32>
    %add3A_649 = arith.constant 9.99999974E-6 : f32
    %add3A_650 = vector.broadcast %add3A_649 : f32 to vector<1x16xf32>
    %add3A_651 = arith.addf %sub3A_645, %add3A_650 : vector<1x16xf32>
    %rsqrt3A_652 = math.rsqrt %add3A_651 : vector<1x16xf32>
    %mul3A_653 = arith.mulf %get3A_648, %rsqrt3A_652 : vector<1x16xf32>
    %get3A_654 = arith.constant 0 : index
    %get3A_655 = arith.constant 0 : index
    %get3A_656 = vector.load %arg13[%get3A_654, %get3A_655] : memref<1x16xf32, #tpu.memory_space<vmem>>, vector<1x16xf32>
    %mul3A_657 = arith.mulf %mul3A_640, %mul3A_653 : vector<1x16xf32>
    %sub3A_658 = arith.subf %get3A_656, %mul3A_657 : vector<1x16xf32>
    %mul3A_659 = vector.broadcast %mul3A_653 : vector<1x16xf32> to vector<2048x16xf32>
    %mul3A_660 = arith.mulf %dot_general3A_532, %mul3A_659 : vector<2048x16xf32>
    %add3A_661 = vector.broadcast %sub3A_658 : vector<1x16xf32> to vector<2048x16xf32>
    %add3A_662 = arith.addf %mul3A_660, %add3A_661 : vector<2048x16xf32>
    %max3A_663 = arith.constant 0.000000e+00 : f32
    %max3A_664 = vector.broadcast %max3A_663 : f32 to vector<2048x16xf32>
    %max3A_665 = arith.maximumf %add3A_662, %max3A_664 : vector<2048x16xf32>
    %mul3A_666 = vector.broadcast %mul3A_653 : vector<1x16xf32> to vector<2048x16xf32>
    %mul3A_667 = arith.mulf %dot_general3A_537, %mul3A_666 : vector<2048x16xf32>
    %add3A_668 = vector.broadcast %sub3A_658 : vector<1x16xf32> to vector<2048x16xf32>
    %add3A_669 = arith.addf %mul3A_667, %add3A_668 : vector<2048x16xf32>
    %max3A_670 = arith.constant 0.000000e+00 : f32
    %max3A_671 = vector.broadcast %max3A_670 : f32 to vector<2048x16xf32>
    %max3A_672 = arith.maximumf %add3A_669, %max3A_671 : vector<2048x16xf32>
    %mul3A_673 = vector.broadcast %mul3A_653 : vector<1x16xf32> to vector<2048x16xf32>
    %mul3A_674 = arith.mulf %dot_general3A_542, %mul3A_673 : vector<2048x16xf32>
    %add3A_675 = vector.broadcast %sub3A_658 : vector<1x16xf32> to vector<2048x16xf32>
    %add3A_676 = arith.addf %mul3A_674, %add3A_675 : vector<2048x16xf32>
    %max3A_677 = arith.constant 0.000000e+00 : f32
    %max3A_678 = vector.broadcast %max3A_677 : f32 to vector<2048x16xf32>
    %max3A_679 = arith.maximumf %add3A_676, %max3A_678 : vector<2048x16xf32>
    %mul3A_680 = vector.broadcast %mul3A_653 : vector<1x16xf32> to vector<2048x16xf32>
    %mul3A_681 = arith.mulf %dot_general3A_547, %mul3A_680 : vector<2048x16xf32>
    %add3A_682 = vector.broadcast %sub3A_658 : vector<1x16xf32> to vector<2048x16xf32>
    %add3A_683 = arith.addf %mul3A_681, %add3A_682 : vector<2048x16xf32>
    %max3A_684 = arith.constant 0.000000e+00 : f32
    %max3A_685 = vector.broadcast %max3A_684 : f32 to vector<2048x16xf32>
    %max3A_686 = arith.maximumf %add3A_683, %max3A_685 : vector<2048x16xf32>
    %mul3A_687 = vector.broadcast %mul3A_653 : vector<1x16xf32> to vector<2048x16xf32>
    %mul3A_688 = arith.mulf %dot_general3A_552, %mul3A_687 : vector<2048x16xf32>
    %add3A_689 = vector.broadcast %sub3A_658 : vector<1x16xf32> to vector<2048x16xf32>
    %add3A_690 = arith.addf %mul3A_688, %add3A_689 : vector<2048x16xf32>
    %max3A_691 = arith.constant 0.000000e+00 : f32
    %max3A_692 = vector.broadcast %max3A_691 : f32 to vector<2048x16xf32>
    %max3A_693 = arith.maximumf %add3A_690, %max3A_692 : vector<2048x16xf32>
    %mul3A_694 = vector.broadcast %mul3A_653 : vector<1x16xf32> to vector<2048x16xf32>
    %mul3A_695 = arith.mulf %dot_general3A_557, %mul3A_694 : vector<2048x16xf32>
    %add3A_696 = vector.broadcast %sub3A_658 : vector<1x16xf32> to vector<2048x16xf32>
    %add3A_697 = arith.addf %mul3A_695, %add3A_696 : vector<2048x16xf32>
    %max3A_698 = arith.constant 0.000000e+00 : f32
    %max3A_699 = vector.broadcast %max3A_698 : f32 to vector<2048x16xf32>
    %max3A_700 = arith.maximumf %add3A_697, %max3A_699 : vector<2048x16xf32>
    %mul3A_701 = vector.broadcast %mul3A_653 : vector<1x16xf32> to vector<2048x16xf32>
    %mul3A_702 = arith.mulf %dot_general3A_562, %mul3A_701 : vector<2048x16xf32>
    %add3A_703 = vector.broadcast %sub3A_658 : vector<1x16xf32> to vector<2048x16xf32>
    %add3A_704 = arith.addf %mul3A_702, %add3A_703 : vector<2048x16xf32>
    %max3A_705 = arith.constant 0.000000e+00 : f32
    %max3A_706 = vector.broadcast %max3A_705 : f32 to vector<2048x16xf32>
    %max3A_707 = arith.maximumf %add3A_704, %max3A_706 : vector<2048x16xf32>
    %mul3A_708 = vector.broadcast %mul3A_653 : vector<1x16xf32> to vector<2048x16xf32>
    %mul3A_709 = arith.mulf %dot_general3A_567, %mul3A_708 : vector<2048x16xf32>
    %add3A_710 = vector.broadcast %sub3A_658 : vector<1x16xf32> to vector<2048x16xf32>
    %add3A_711 = arith.addf %mul3A_709, %add3A_710 : vector<2048x16xf32>
    %max3A_712 = arith.constant 0.000000e+00 : f32
    %max3A_713 = vector.broadcast %max3A_712 : f32 to vector<2048x16xf32>
    %max3A_714 = arith.maximumf %add3A_711, %max3A_713 : vector<2048x16xf32>
    %get3A_715 = arith.constant 0 : index
    %get3A_716 = arith.constant 0 : index
    %get3A_717 = vector.load %arg14[%get3A_715, %get3A_716] : memref<16x8xf32, #tpu.memory_space<vmem>>, vector<16x8xf32>
    %dot_general3A_718 = arith.constant dense<0.000000e+00> : vector<2048x8xf32>
    %dot_general3A_719 = tpu.matmul %max3A_665, %get3A_717, %dot_general3A_718 {dimension_numbers = #tpu.dot_dimension_numbers<[1], [0], [0], [1], [0, 0, 1, 1], [], []>, transpose_lhs_hint = false} : vector<2048x16xf32>, vector<16x8xf32>, vector<2048x8xf32> -> vector<2048x8xf32>
    %get3A_720 = arith.constant 0 : index
    %get3A_721 = arith.constant 0 : index
    %get3A_722 = vector.load %arg14[%get3A_720, %get3A_721] : memref<16x8xf32, #tpu.memory_space<vmem>>, vector<16x8xf32>
    %dot_general3A_723 = arith.constant dense<0.000000e+00> : vector<2048x8xf32>
    %dot_general3A_724 = tpu.matmul %max3A_672, %get3A_722, %dot_general3A_723 {dimension_numbers = #tpu.dot_dimension_numbers<[1], [0], [0], [1], [0, 0, 1, 1], [], []>, transpose_lhs_hint = false} : vector<2048x16xf32>, vector<16x8xf32>, vector<2048x8xf32> -> vector<2048x8xf32>
    %get3A_725 = arith.constant 0 : index
    %get3A_726 = arith.constant 0 : index
    %get3A_727 = vector.load %arg14[%get3A_725, %get3A_726] : memref<16x8xf32, #tpu.memory_space<vmem>>, vector<16x8xf32>
    %dot_general3A_728 = arith.constant dense<0.000000e+00> : vector<2048x8xf32>
    %dot_general3A_729 = tpu.matmul %max3A_679, %get3A_727, %dot_general3A_728 {dimension_numbers = #tpu.dot_dimension_numbers<[1], [0], [0], [1], [0, 0, 1, 1], [], []>, transpose_lhs_hint = false} : vector<2048x16xf32>, vector<16x8xf32>, vector<2048x8xf32> -> vector<2048x8xf32>
    %get3A_730 = arith.constant 0 : index
    %get3A_731 = arith.constant 0 : index
    %get3A_732 = vector.load %arg14[%get3A_730, %get3A_731] : memref<16x8xf32, #tpu.memory_space<vmem>>, vector<16x8xf32>
    %dot_general3A_733 = arith.constant dense<0.000000e+00> : vector<2048x8xf32>
    %dot_general3A_734 = tpu.matmul %max3A_686, %get3A_732, %dot_general3A_733 {dimension_numbers = #tpu.dot_dimension_numbers<[1], [0], [0], [1], [0, 0, 1, 1], [], []>, transpose_lhs_hint = false} : vector<2048x16xf32>, vector<16x8xf32>, vector<2048x8xf32> -> vector<2048x8xf32>
    %get3A_735 = arith.constant 0 : index
    %get3A_736 = arith.constant 0 : index
    %get3A_737 = vector.load %arg14[%get3A_735, %get3A_736] : memref<16x8xf32, #tpu.memory_space<vmem>>, vector<16x8xf32>
    %dot_general3A_738 = arith.constant dense<0.000000e+00> : vector<2048x8xf32>
    %dot_general3A_739 = tpu.matmul %max3A_693, %get3A_737, %dot_general3A_738 {dimension_numbers = #tpu.dot_dimension_numbers<[1], [0], [0], [1], [0, 0, 1, 1], [], []>, transpose_lhs_hint = false} : vector<2048x16xf32>, vector<16x8xf32>, vector<2048x8xf32> -> vector<2048x8xf32>
    %get3A_740 = arith.constant 0 : index
    %get3A_741 = arith.constant 0 : index
    %get3A_742 = vector.load %arg14[%get3A_740, %get3A_741] : memref<16x8xf32, #tpu.memory_space<vmem>>, vector<16x8xf32>
    %dot_general3A_743 = arith.constant dense<0.000000e+00> : vector<2048x8xf32>
    %dot_general3A_744 = tpu.matmul %max3A_700, %get3A_742, %dot_general3A_743 {dimension_numbers = #tpu.dot_dimension_numbers<[1], [0], [0], [1], [0, 0, 1, 1], [], []>, transpose_lhs_hint = false} : vector<2048x16xf32>, vector<16x8xf32>, vector<2048x8xf32> -> vector<2048x8xf32>
    %get3A_745 = arith.constant 0 : index
    %get3A_746 = arith.constant 0 : index
    %get3A_747 = vector.load %arg14[%get3A_745, %get3A_746] : memref<16x8xf32, #tpu.memory_space<vmem>>, vector<16x8xf32>
    %dot_general3A_748 = arith.constant dense<0.000000e+00> : vector<2048x8xf32>
    %dot_general3A_749 = tpu.matmul %max3A_707, %get3A_747, %dot_general3A_748 {dimension_numbers = #tpu.dot_dimension_numbers<[1], [0], [0], [1], [0, 0, 1, 1], [], []>, transpose_lhs_hint = false} : vector<2048x16xf32>, vector<16x8xf32>, vector<2048x8xf32> -> vector<2048x8xf32>
    %get3A_750 = arith.constant 0 : index
    %get3A_751 = arith.constant 0 : index
    %get3A_752 = vector.load %arg14[%get3A_750, %get3A_751] : memref<16x8xf32, #tpu.memory_space<vmem>>, vector<16x8xf32>
    %dot_general3A_753 = arith.constant dense<0.000000e+00> : vector<2048x8xf32>
    %dot_general3A_754 = tpu.matmul %max3A_714, %get3A_752, %dot_general3A_753 {dimension_numbers = #tpu.dot_dimension_numbers<[1], [0], [0], [1], [0, 0, 1, 1], [], []>, transpose_lhs_hint = false} : vector<2048x16xf32>, vector<16x8xf32>, vector<2048x8xf32> -> vector<2048x8xf32>
    %reduce_sum3A_755 = arith.constant dense<0.000000e+00> : vector<8xf32>
    %reduce_sum3A_756 = vector.multi_reduction <add>, %dot_general3A_719, %reduce_sum3A_755 [0] : vector<2048x8xf32> to vector<8xf32>
    %broadcast_in_dim3A_757 = vector.shape_cast %reduce_sum3A_756 : vector<8xf32> to vector<1x8xf32>
    %mul3A_758 = arith.mulf %dot_general3A_719, %dot_general3A_719 : vector<2048x8xf32>
    %reduce_sum3A_759 = arith.constant dense<0.000000e+00> : vector<8xf32>
    %reduce_sum3A_760 = vector.multi_reduction <add>, %mul3A_758, %reduce_sum3A_759 [0] : vector<2048x8xf32> to vector<8xf32>
    %broadcast_in_dim3A_761 = vector.shape_cast %reduce_sum3A_760 : vector<8xf32> to vector<1x8xf32>
    %reduce_sum3A_762 = arith.constant dense<0.000000e+00> : vector<8xf32>
    %reduce_sum3A_763 = vector.multi_reduction <add>, %dot_general3A_724, %reduce_sum3A_762 [0] : vector<2048x8xf32> to vector<8xf32>
    %broadcast_in_dim3A_764 = vector.shape_cast %reduce_sum3A_763 : vector<8xf32> to vector<1x8xf32>
    %add3A_765 = arith.addf %broadcast_in_dim3A_757, %broadcast_in_dim3A_764 : vector<1x8xf32>
    %mul3A_766 = arith.mulf %dot_general3A_724, %dot_general3A_724 : vector<2048x8xf32>
    %reduce_sum3A_767 = arith.constant dense<0.000000e+00> : vector<8xf32>
    %reduce_sum3A_768 = vector.multi_reduction <add>, %mul3A_766, %reduce_sum3A_767 [0] : vector<2048x8xf32> to vector<8xf32>
    %broadcast_in_dim3A_769 = vector.shape_cast %reduce_sum3A_768 : vector<8xf32> to vector<1x8xf32>
    %add3A_770 = arith.addf %broadcast_in_dim3A_761, %broadcast_in_dim3A_769 : vector<1x8xf32>
    %reduce_sum3A_771 = arith.constant dense<0.000000e+00> : vector<8xf32>
    %reduce_sum3A_772 = vector.multi_reduction <add>, %dot_general3A_729, %reduce_sum3A_771 [0] : vector<2048x8xf32> to vector<8xf32>
    %broadcast_in_dim3A_773 = vector.shape_cast %reduce_sum3A_772 : vector<8xf32> to vector<1x8xf32>
    %add3A_774 = arith.addf %add3A_765, %broadcast_in_dim3A_773 : vector<1x8xf32>
    %mul3A_775 = arith.mulf %dot_general3A_729, %dot_general3A_729 : vector<2048x8xf32>
    %reduce_sum3A_776 = arith.constant dense<0.000000e+00> : vector<8xf32>
    %reduce_sum3A_777 = vector.multi_reduction <add>, %mul3A_775, %reduce_sum3A_776 [0] : vector<2048x8xf32> to vector<8xf32>
    %broadcast_in_dim3A_778 = vector.shape_cast %reduce_sum3A_777 : vector<8xf32> to vector<1x8xf32>
    %add3A_779 = arith.addf %add3A_770, %broadcast_in_dim3A_778 : vector<1x8xf32>
    %reduce_sum3A_780 = arith.constant dense<0.000000e+00> : vector<8xf32>
    %reduce_sum3A_781 = vector.multi_reduction <add>, %dot_general3A_734, %reduce_sum3A_780 [0] : vector<2048x8xf32> to vector<8xf32>
    %broadcast_in_dim3A_782 = vector.shape_cast %reduce_sum3A_781 : vector<8xf32> to vector<1x8xf32>
    %add3A_783 = arith.addf %add3A_774, %broadcast_in_dim3A_782 : vector<1x8xf32>
    %mul3A_784 = arith.mulf %dot_general3A_734, %dot_general3A_734 : vector<2048x8xf32>
    %reduce_sum3A_785 = arith.constant dense<0.000000e+00> : vector<8xf32>
    %reduce_sum3A_786 = vector.multi_reduction <add>, %mul3A_784, %reduce_sum3A_785 [0] : vector<2048x8xf32> to vector<8xf32>
    %broadcast_in_dim3A_787 = vector.shape_cast %reduce_sum3A_786 : vector<8xf32> to vector<1x8xf32>
    %add3A_788 = arith.addf %add3A_779, %broadcast_in_dim3A_787 : vector<1x8xf32>
    %reduce_sum3A_789 = arith.constant dense<0.000000e+00> : vector<8xf32>
    %reduce_sum3A_790 = vector.multi_reduction <add>, %dot_general3A_739, %reduce_sum3A_789 [0] : vector<2048x8xf32> to vector<8xf32>
    %broadcast_in_dim3A_791 = vector.shape_cast %reduce_sum3A_790 : vector<8xf32> to vector<1x8xf32>
    %add3A_792 = arith.addf %add3A_783, %broadcast_in_dim3A_791 : vector<1x8xf32>
    %mul3A_793 = arith.mulf %dot_general3A_739, %dot_general3A_739 : vector<2048x8xf32>
    %reduce_sum3A_794 = arith.constant dense<0.000000e+00> : vector<8xf32>
    %reduce_sum3A_795 = vector.multi_reduction <add>, %mul3A_793, %reduce_sum3A_794 [0] : vector<2048x8xf32> to vector<8xf32>
    %broadcast_in_dim3A_796 = vector.shape_cast %reduce_sum3A_795 : vector<8xf32> to vector<1x8xf32>
    %add3A_797 = arith.addf %add3A_788, %broadcast_in_dim3A_796 : vector<1x8xf32>
    %reduce_sum3A_798 = arith.constant dense<0.000000e+00> : vector<8xf32>
    %reduce_sum3A_799 = vector.multi_reduction <add>, %dot_general3A_744, %reduce_sum3A_798 [0] : vector<2048x8xf32> to vector<8xf32>
    %broadcast_in_dim3A_800 = vector.shape_cast %reduce_sum3A_799 : vector<8xf32> to vector<1x8xf32>
    %add3A_801 = arith.addf %add3A_792, %broadcast_in_dim3A_800 : vector<1x8xf32>
    %mul3A_802 = arith.mulf %dot_general3A_744, %dot_general3A_744 : vector<2048x8xf32>
    %reduce_sum3A_803 = arith.constant dense<0.000000e+00> : vector<8xf32>
    %reduce_sum3A_804 = vector.multi_reduction <add>, %mul3A_802, %reduce_sum3A_803 [0] : vector<2048x8xf32> to vector<8xf32>
    %broadcast_in_dim3A_805 = vector.shape_cast %reduce_sum3A_804 : vector<8xf32> to vector<1x8xf32>
    %add3A_806 = arith.addf %add3A_797, %broadcast_in_dim3A_805 : vector<1x8xf32>
    %reduce_sum3A_807 = arith.constant dense<0.000000e+00> : vector<8xf32>
    %reduce_sum3A_808 = vector.multi_reduction <add>, %dot_general3A_749, %reduce_sum3A_807 [0] : vector<2048x8xf32> to vector<8xf32>
    %broadcast_in_dim3A_809 = vector.shape_cast %reduce_sum3A_808 : vector<8xf32> to vector<1x8xf32>
    %add3A_810 = arith.addf %add3A_801, %broadcast_in_dim3A_809 : vector<1x8xf32>
    %mul3A_811 = arith.mulf %dot_general3A_749, %dot_general3A_749 : vector<2048x8xf32>
    %reduce_sum3A_812 = arith.constant dense<0.000000e+00> : vector<8xf32>
    %reduce_sum3A_813 = vector.multi_reduction <add>, %mul3A_811, %reduce_sum3A_812 [0] : vector<2048x8xf32> to vector<8xf32>
    %broadcast_in_dim3A_814 = vector.shape_cast %reduce_sum3A_813 : vector<8xf32> to vector<1x8xf32>
    %add3A_815 = arith.addf %add3A_806, %broadcast_in_dim3A_814 : vector<1x8xf32>
    %reduce_sum3A_816 = arith.constant dense<0.000000e+00> : vector<8xf32>
    %reduce_sum3A_817 = vector.multi_reduction <add>, %dot_general3A_754, %reduce_sum3A_816 [0] : vector<2048x8xf32> to vector<8xf32>
    %broadcast_in_dim3A_818 = vector.shape_cast %reduce_sum3A_817 : vector<8xf32> to vector<1x8xf32>
    %add3A_819 = arith.addf %add3A_810, %broadcast_in_dim3A_818 : vector<1x8xf32>
    %mul3A_820 = arith.mulf %dot_general3A_754, %dot_general3A_754 : vector<2048x8xf32>
    %reduce_sum3A_821 = arith.constant dense<0.000000e+00> : vector<8xf32>
    %reduce_sum3A_822 = vector.multi_reduction <add>, %mul3A_820, %reduce_sum3A_821 [0] : vector<2048x8xf32> to vector<8xf32>
    %broadcast_in_dim3A_823 = vector.shape_cast %reduce_sum3A_822 : vector<8xf32> to vector<1x8xf32>
    %add3A_824 = arith.addf %add3A_815, %broadcast_in_dim3A_823 : vector<1x8xf32>
    %mul3A_825 = arith.constant 6.10351563E-5 : f32
    %mul3A_826 = vector.broadcast %mul3A_825 : f32 to vector<1x8xf32>
    %mul3A_827 = arith.mulf %add3A_819, %mul3A_826 : vector<1x8xf32>
    %mul3A_828 = arith.constant 6.10351563E-5 : f32
    %mul3A_829 = vector.broadcast %mul3A_828 : f32 to vector<1x8xf32>
    %mul3A_830 = arith.mulf %add3A_824, %mul3A_829 : vector<1x8xf32>
    %mul3A_831 = arith.mulf %mul3A_827, %mul3A_827 : vector<1x8xf32>
    %sub3A_832 = arith.subf %mul3A_830, %mul3A_831 : vector<1x8xf32>
    %get3A_833 = arith.constant 0 : index
    %get3A_834 = arith.constant 0 : index
    %get3A_835 = vector.load %arg15[%get3A_833, %get3A_834] : memref<1x8xf32, #tpu.memory_space<vmem>>, vector<1x8xf32>
    %add3A_836 = arith.constant 9.99999974E-6 : f32
    %add3A_837 = vector.broadcast %add3A_836 : f32 to vector<1x8xf32>
    %add3A_838 = arith.addf %sub3A_832, %add3A_837 : vector<1x8xf32>
    %rsqrt3A_839 = math.rsqrt %add3A_838 : vector<1x8xf32>
    %mul3A_840 = arith.mulf %get3A_835, %rsqrt3A_839 : vector<1x8xf32>
    %get3A_841 = arith.constant 0 : index
    %get3A_842 = arith.constant 0 : index
    %get3A_843 = vector.load %arg16[%get3A_841, %get3A_842] : memref<1x8xf32, #tpu.memory_space<vmem>>, vector<1x8xf32>
    %mul3A_844 = arith.mulf %mul3A_827, %mul3A_840 : vector<1x8xf32>
    %sub3A_845 = arith.subf %get3A_843, %mul3A_844 : vector<1x8xf32>
    %mul3A_846 = vector.broadcast %mul3A_840 : vector<1x8xf32> to vector<2048x8xf32>
    %mul3A_847 = arith.mulf %dot_general3A_719, %mul3A_846 : vector<2048x8xf32>
    %add3A_848 = vector.broadcast %sub3A_845 : vector<1x8xf32> to vector<2048x8xf32>
    %add3A_849 = arith.addf %mul3A_847, %add3A_848 : vector<2048x8xf32>
    %max3A_850 = arith.constant 0.000000e+00 : f32
    %max3A_851 = vector.broadcast %max3A_850 : f32 to vector<2048x8xf32>
    %max3A_852 = arith.maximumf %add3A_849, %max3A_851 : vector<2048x8xf32>
    %mul3A_853 = vector.broadcast %mul3A_840 : vector<1x8xf32> to vector<2048x8xf32>
    %mul3A_854 = arith.mulf %dot_general3A_724, %mul3A_853 : vector<2048x8xf32>
    %add3A_855 = vector.broadcast %sub3A_845 : vector<1x8xf32> to vector<2048x8xf32>
    %add3A_856 = arith.addf %mul3A_854, %add3A_855 : vector<2048x8xf32>
    %max3A_857 = arith.constant 0.000000e+00 : f32
    %max3A_858 = vector.broadcast %max3A_857 : f32 to vector<2048x8xf32>
    %max3A_859 = arith.maximumf %add3A_856, %max3A_858 : vector<2048x8xf32>
    %mul3A_860 = vector.broadcast %mul3A_840 : vector<1x8xf32> to vector<2048x8xf32>
    %mul3A_861 = arith.mulf %dot_general3A_729, %mul3A_860 : vector<2048x8xf32>
    %add3A_862 = vector.broadcast %sub3A_845 : vector<1x8xf32> to vector<2048x8xf32>
    %add3A_863 = arith.addf %mul3A_861, %add3A_862 : vector<2048x8xf32>
    %max3A_864 = arith.constant 0.000000e+00 : f32
    %max3A_865 = vector.broadcast %max3A_864 : f32 to vector<2048x8xf32>
    %max3A_866 = arith.maximumf %add3A_863, %max3A_865 : vector<2048x8xf32>
    %mul3A_867 = vector.broadcast %mul3A_840 : vector<1x8xf32> to vector<2048x8xf32>
    %mul3A_868 = arith.mulf %dot_general3A_734, %mul3A_867 : vector<2048x8xf32>
    %add3A_869 = vector.broadcast %sub3A_845 : vector<1x8xf32> to vector<2048x8xf32>
    %add3A_870 = arith.addf %mul3A_868, %add3A_869 : vector<2048x8xf32>
    %max3A_871 = arith.constant 0.000000e+00 : f32
    %max3A_872 = vector.broadcast %max3A_871 : f32 to vector<2048x8xf32>
    %max3A_873 = arith.maximumf %add3A_870, %max3A_872 : vector<2048x8xf32>
    %mul3A_874 = vector.broadcast %mul3A_840 : vector<1x8xf32> to vector<2048x8xf32>
    %mul3A_875 = arith.mulf %dot_general3A_739, %mul3A_874 : vector<2048x8xf32>
    %add3A_876 = vector.broadcast %sub3A_845 : vector<1x8xf32> to vector<2048x8xf32>
    %add3A_877 = arith.addf %mul3A_875, %add3A_876 : vector<2048x8xf32>
    %max3A_878 = arith.constant 0.000000e+00 : f32
    %max3A_879 = vector.broadcast %max3A_878 : f32 to vector<2048x8xf32>
    %max3A_880 = arith.maximumf %add3A_877, %max3A_879 : vector<2048x8xf32>
    %mul3A_881 = vector.broadcast %mul3A_840 : vector<1x8xf32> to vector<2048x8xf32>
    %mul3A_882 = arith.mulf %dot_general3A_744, %mul3A_881 : vector<2048x8xf32>
    %add3A_883 = vector.broadcast %sub3A_845 : vector<1x8xf32> to vector<2048x8xf32>
    %add3A_884 = arith.addf %mul3A_882, %add3A_883 : vector<2048x8xf32>
    %max3A_885 = arith.constant 0.000000e+00 : f32
    %max3A_886 = vector.broadcast %max3A_885 : f32 to vector<2048x8xf32>
    %max3A_887 = arith.maximumf %add3A_884, %max3A_886 : vector<2048x8xf32>
    %mul3A_888 = vector.broadcast %mul3A_840 : vector<1x8xf32> to vector<2048x8xf32>
    %mul3A_889 = arith.mulf %dot_general3A_749, %mul3A_888 : vector<2048x8xf32>
    %add3A_890 = vector.broadcast %sub3A_845 : vector<1x8xf32> to vector<2048x8xf32>
    %add3A_891 = arith.addf %mul3A_889, %add3A_890 : vector<2048x8xf32>
    %max3A_892 = arith.constant 0.000000e+00 : f32
    %max3A_893 = vector.broadcast %max3A_892 : f32 to vector<2048x8xf32>
    %max3A_894 = arith.maximumf %add3A_891, %max3A_893 : vector<2048x8xf32>
    %mul3A_895 = vector.broadcast %mul3A_840 : vector<1x8xf32> to vector<2048x8xf32>
    %mul3A_896 = arith.mulf %dot_general3A_754, %mul3A_895 : vector<2048x8xf32>
    %add3A_897 = vector.broadcast %sub3A_845 : vector<1x8xf32> to vector<2048x8xf32>
    %add3A_898 = arith.addf %mul3A_896, %add3A_897 : vector<2048x8xf32>
    %max3A_899 = arith.constant 0.000000e+00 : f32
    %max3A_900 = vector.broadcast %max3A_899 : f32 to vector<2048x8xf32>
    %max3A_901 = arith.maximumf %add3A_898, %max3A_900 : vector<2048x8xf32>
    %get3A_902 = arith.constant 0 : index
    %get3A_903 = arith.constant 0 : index
    %get3A_904 = vector.load %arg17[%get3A_902, %get3A_903] : memref<8x1xf32, #tpu.memory_space<vmem>>, vector<8x1xf32>
    %dot_general3A_905 = arith.constant dense<0.000000e+00> : vector<2048x1xf32>
    %dot_general3A_906 = tpu.matmul %max3A_852, %get3A_904, %dot_general3A_905 {dimension_numbers = #tpu.dot_dimension_numbers<[1], [0], [0], [1], [0, 0, 1, 1], [], []>, transpose_lhs_hint = false} : vector<2048x8xf32>, vector<8x1xf32>, vector<2048x1xf32> -> vector<2048x1xf32>
    %get3A_907 = arith.constant 0 : index
    %get3A_908 = arith.constant 0 : index
    %get3A_909 = vector.load %arg17[%get3A_907, %get3A_908] : memref<8x1xf32, #tpu.memory_space<vmem>>, vector<8x1xf32>
    %dot_general3A_910 = arith.constant dense<0.000000e+00> : vector<2048x1xf32>
    %dot_general3A_911 = tpu.matmul %max3A_859, %get3A_909, %dot_general3A_910 {dimension_numbers = #tpu.dot_dimension_numbers<[1], [0], [0], [1], [0, 0, 1, 1], [], []>, transpose_lhs_hint = false} : vector<2048x8xf32>, vector<8x1xf32>, vector<2048x1xf32> -> vector<2048x1xf32>
    %get3A_912 = arith.constant 0 : index
    %get3A_913 = arith.constant 0 : index
    %get3A_914 = vector.load %arg17[%get3A_912, %get3A_913] : memref<8x1xf32, #tpu.memory_space<vmem>>, vector<8x1xf32>
    %dot_general3A_915 = arith.constant dense<0.000000e+00> : vector<2048x1xf32>
    %dot_general3A_916 = tpu.matmul %max3A_866, %get3A_914, %dot_general3A_915 {dimension_numbers = #tpu.dot_dimension_numbers<[1], [0], [0], [1], [0, 0, 1, 1], [], []>, transpose_lhs_hint = false} : vector<2048x8xf32>, vector<8x1xf32>, vector<2048x1xf32> -> vector<2048x1xf32>
    %get3A_917 = arith.constant 0 : index
    %get3A_918 = arith.constant 0 : index
    %get3A_919 = vector.load %arg17[%get3A_917, %get3A_918] : memref<8x1xf32, #tpu.memory_space<vmem>>, vector<8x1xf32>
    %dot_general3A_920 = arith.constant dense<0.000000e+00> : vector<2048x1xf32>
    %dot_general3A_921 = tpu.matmul %max3A_873, %get3A_919, %dot_general3A_920 {dimension_numbers = #tpu.dot_dimension_numbers<[1], [0], [0], [1], [0, 0, 1, 1], [], []>, transpose_lhs_hint = false} : vector<2048x8xf32>, vector<8x1xf32>, vector<2048x1xf32> -> vector<2048x1xf32>
    %get3A_922 = arith.constant 0 : index
    %get3A_923 = arith.constant 0 : index
    %get3A_924 = vector.load %arg17[%get3A_922, %get3A_923] : memref<8x1xf32, #tpu.memory_space<vmem>>, vector<8x1xf32>
    %dot_general3A_925 = arith.constant dense<0.000000e+00> : vector<2048x1xf32>
    %dot_general3A_926 = tpu.matmul %max3A_880, %get3A_924, %dot_general3A_925 {dimension_numbers = #tpu.dot_dimension_numbers<[1], [0], [0], [1], [0, 0, 1, 1], [], []>, transpose_lhs_hint = false} : vector<2048x8xf32>, vector<8x1xf32>, vector<2048x1xf32> -> vector<2048x1xf32>
    %get3A_927 = arith.constant 0 : index
    %get3A_928 = arith.constant 0 : index
    %get3A_929 = vector.load %arg17[%get3A_927, %get3A_928] : memref<8x1xf32, #tpu.memory_space<vmem>>, vector<8x1xf32>
    %dot_general3A_930 = arith.constant dense<0.000000e+00> : vector<2048x1xf32>
    %dot_general3A_931 = tpu.matmul %max3A_887, %get3A_929, %dot_general3A_930 {dimension_numbers = #tpu.dot_dimension_numbers<[1], [0], [0], [1], [0, 0, 1, 1], [], []>, transpose_lhs_hint = false} : vector<2048x8xf32>, vector<8x1xf32>, vector<2048x1xf32> -> vector<2048x1xf32>
    %get3A_932 = arith.constant 0 : index
    %get3A_933 = arith.constant 0 : index
    %get3A_934 = vector.load %arg17[%get3A_932, %get3A_933] : memref<8x1xf32, #tpu.memory_space<vmem>>, vector<8x1xf32>
    %dot_general3A_935 = arith.constant dense<0.000000e+00> : vector<2048x1xf32>
    %dot_general3A_936 = tpu.matmul %max3A_894, %get3A_934, %dot_general3A_935 {dimension_numbers = #tpu.dot_dimension_numbers<[1], [0], [0], [1], [0, 0, 1, 1], [], []>, transpose_lhs_hint = false} : vector<2048x8xf32>, vector<8x1xf32>, vector<2048x1xf32> -> vector<2048x1xf32>
    %get3A_937 = arith.constant 0 : index
    %get3A_938 = arith.constant 0 : index
    %get3A_939 = vector.load %arg17[%get3A_937, %get3A_938] : memref<8x1xf32, #tpu.memory_space<vmem>>, vector<8x1xf32>
    %dot_general3A_940 = arith.constant dense<0.000000e+00> : vector<2048x1xf32>
    %dot_general3A_941 = tpu.matmul %max3A_901, %get3A_939, %dot_general3A_940 {dimension_numbers = #tpu.dot_dimension_numbers<[1], [0], [0], [1], [0, 0, 1, 1], [], []>, transpose_lhs_hint = false} : vector<2048x8xf32>, vector<8x1xf32>, vector<2048x1xf32> -> vector<2048x1xf32>
    %transpose3A_942 = tpu.transpose %dot_general3A_906, [1, 0] : vector<2048x1xf32> -> vector<1x2048xf32>
    %transpose3A_943 = tpu.transpose %dot_general3A_911, [1, 0] : vector<2048x1xf32> -> vector<1x2048xf32>
    %transpose3A_944 = tpu.transpose %dot_general3A_916, [1, 0] : vector<2048x1xf32> -> vector<1x2048xf32>
    %transpose3A_945 = tpu.transpose %dot_general3A_921, [1, 0] : vector<2048x1xf32> -> vector<1x2048xf32>
    %transpose3A_946 = tpu.transpose %dot_general3A_926, [1, 0] : vector<2048x1xf32> -> vector<1x2048xf32>
    %transpose3A_947 = tpu.transpose %dot_general3A_931, [1, 0] : vector<2048x1xf32> -> vector<1x2048xf32>
    %transpose3A_948 = tpu.transpose %dot_general3A_936, [1, 0] : vector<2048x1xf32> -> vector<1x2048xf32>
    %transpose3A_949 = tpu.transpose %dot_general3A_941, [1, 0] : vector<2048x1xf32> -> vector<1x2048xf32>
    %concatenate3A_950 = tpu.concatenate %transpose3A_942, %transpose3A_943, %transpose3A_944, %transpose3A_945, %transpose3A_946, %transpose3A_947, %transpose3A_948, %transpose3A_949 in 0 : vector<1x2048xf32>, vector<1x2048xf32>, vector<1x2048xf32>, vector<1x2048xf32>, vector<1x2048xf32>, vector<1x2048xf32>, vector<1x2048xf32>, vector<1x2048xf32> -> vector<8x2048xf32>
    %get3A_951 = arith.constant 0 : index
    %get3A_952 = arith.constant 0 : index
    %get3A_953 = vector.load %arg18[%get3A_951, %get3A_952] : memref<1x1xf32, #tpu.memory_space<vmem>>, vector<1x1xf32>
    %add3A_954 = vector.broadcast %get3A_953 : vector<1x1xf32> to vector<8x2048xf32>
    %add3A_955 = arith.addf %concatenate3A_950, %add3A_954 : vector<8x2048xf32>
    %swap3A = arith.constant 0 : index
    %swap3A_956 = arith.constant 0 : index
    %swap3A_957 = vector.load %arg19[%swap3A, %swap3A_956] : memref<8x2048xf32, #tpu.memory_space<vmem>>, vector<8x2048xf32>
    tpu.vector_store %arg19[%swap3A, %swap3A_956], %add3A_955 {strides = array<i32>} : memref<8x2048xf32, #tpu.memory_space<vmem>>, vector<8x2048xf32>,
    return
  }
}

</mosaic_0001>

<sc_bundles>
// kernel: kernel.5.cloned.1.call-start
scs
__scs_entry_jumppad:
0x0: {  	(pc) =	sbr.rel $0x88, $3  }
0x1: {  	(tag) =	ssettag $0x0;
	lr =	simm.s32 $0x1  }
0x2: {  	[smem:$0x3F8E] =	sst lr;
	_ =	strace $0xD0000000  }
0x3: {  	_ = 	snop  }
0x4: {  	_ = 	snop  }
0x5: {  	_ = 	snop  }
0x6: {  	_ = 	snop  }
0x7: {  	_ = 	snop  }
__scs_overlays_trampoline_lowered:
0x8: {  	[smem:$0x3F9D] =	sst s0  }
0x9: {  	[smem:$0x3F9E] =	sst s1  }
0xa: {  	[smem:$0x3F9F] =	sst s2  }
0xb: {  	[smem:$0x3FA0] =	sst s3  }
0xc: {  	[smem:$0x3FA1] =	sst s4  }
0xd: {  	[smem:$0x3FA2] =	sst s5  }
0xe: {  	[smem:$0x3FA3] =	sst s6  }
0xf: {  	[smem:$0x3FA4] =	sst s7  }
0x10: {  	[smem:$0x3FA5] =	sst s8  }
0x11: {  	[smem:$0x3FA6] =	sst s9;
	s0 =	simm.s32 @!p0 $0x0  }
0x12: {  	s1 =	sld [smem:$0x3F8C];
	s0 =	simm.s32 @p0 $0x1  }
0x13: {  	[smem:$0x3FA7] =	sst s0;
	s0 =	simm.s32 @!p1 $0x0  }
0x14: {  	s2 =	sld [smem:$0x3F8B];
	s0 =	simm.s32 @p1 $0x1  }
0x15: {  	[smem:$0x3FA8] =	sst s0;
	s0 =	simm.s32 @!p2 $0x0  }
0x16: {  	s3 =	sld [smem:$0x3FDB];
	s0 =	simm.s32 @p2 $0x1  }
0x17: {  	s4 =	simm.s32 $0x1BF5;
	[smem:$0x3FAA] =	sst s0  }
0x18: {  	s0 =	sld [smem:$0x3F8D];
	_ =	swait.ge [sflag:s4], $0x0  }
0x19: {  	s7 =	sld [smem:$0x3F8E]  }
0x1a: {  	s8 =	sadd.s32 $0xFFFFE003, lr  }
0x1b: {  	s9 =	sadd.s32 $0xFFFFFEF7, lr;
	s5 =	simm.s32 $0xFFFFFFFF;
	p2 =	slt.u32 s8, $0xFFFFF086  }
0x1c: {  	p1 =	slt.u32 s9, $0xF7A;
	s5 =	simm.s32 @!p2 $0x0  }
0x1d: {  	s5 =	simm.s32 @p1 $0x1;
	p0 =	seq.s32 s7, s2  }
0x1e: {  	s7 =	smul.u32 @!p0 $0xF7A, s2;
	p2 =	seq.s32 @!p0 s5, $0x0  }
0x1f: {  	s9 =	smul.u32 $0xF7A, s1;
	s8 =	simm.s32 @!p0 $0x1BF5;
	p2 =	por !p2, p0  }
0x20: {  	[sflag:s8] =	ssyncset.s32 @!p0 $0xFFFFF086;
	s6 =	sadd.s32 @!p0 s3, s7;
	s7 =	simm.s32 @!p0 $0x108  }
0x21: {  	s3 =	sadd.s32 s3, s9;
	s6 =	sadd.s32 @!p0 $0x88, s6;
	s7 =	simm.s32 @p2 $0x1082  }
0x22: {  	[simem:s7], [sflag:s8] =	dma.local @!p0 [hbm:s6], $0xF7A  }
0x23: {  	s9 =	sor.u32 $0xD0000000, s2;
	s6 =	simm.s32 $0x108;
	_ =	swait.ge @!p0 [sflag:s8], $0x0  }
0x24: {  	s3 =	sadd.s32 $0x88, s3;
	s6 =	simm.s32 @!p1 $0x1082;
	[sflag:s4] =	ssyncset.s32 $0xFFFFF086  }
0x25: {  	[simem:s6], [sflag:s4] =	dma.local [hbm:s3], $0xF7A  }
0x26: {  	[smem:$0x3F8E] =	sst s1;
	(tag) =	ssettag s2;
	_ =	strace s9  }
0x27: {  	s1 =	sld [smem:$0x3F9E]  }
0x28: {  	s2 =	sld [smem:$0x3F9F]  }
0x29: {  	s4 =	sld [smem:$0x3FA1]  }
0x2a: {  	p0 =	seq.s32 s5, $0x0;
	s5 =	sld [smem:$0x3FA2]  }
0x2b: {  	s6 =	sld [smem:$0x3FA3]  }
0x2c: {  	s7 =	sld [smem:$0x3FA4]  }
0x2d: {  	s3 =	simm.s32 $0x108;
	s8 =	sld [smem:$0x3FA5]  }
0x2e: {  	s3 =	simm.s32 @!p0 $0x1082;
	s9 =	sld [smem:$0x3FA6]  }
0x2f: {  	lr =	sadd.s32 s0, s3;
	s0 =	sld [smem:$0x3F9D]  }
0x30: {  	s3 =	sld [smem:$0x3FA0]  }
0x31: {  	[smem:$0x3FA9] =	sst s10  }
0x32: {  	s10 =	sld [smem:$0x3FA7];
	_ =	sdelay $0x3  }
0x33: {  	p0 =	seq.s32 s10, $0x1;
	s10 =	sld [smem:$0x3FA9];
	_ =	sdelay $0x3  }
0x34: {  	[smem:$0x3FA9] =	sst s10  }
0x35: {  	s10 =	sld [smem:$0x3FA8];
	_ =	sdelay $0x3  }
0x36: {  	p1 =	seq.s32 s10, $0x1;
	s10 =	sld [smem:$0x3FA9];
	_ =	sdelay $0x3  }
0x37: {  	[smem:$0x3FA9] =	sst s10  }
0x38: {  	s10 =	sld [smem:$0x3FAA]  }
0x39: {  	_ = 	snop;
	(pc) =	sbr.ind lr, $3  }
0x3a: {  	_ = 	snop  }
0x3b: {  	_ = 	snop  }
0x3c: {  	p2 =	seq.s32 s10, $0x1;
	s10 =	sld [smem:$0x3FA9]  }
0x3d: {  	_ =	shalt  }
0x3e: {  	_ =	shalt  }
0x3f: {  	_ =	shalt  }
0x40: {  	_ =	shalt  }
0x41: {  	_ =	shalt  }
0x42: {  	_ =	shalt  }
0x43: {  	_ =	shalt  }
0x44: {  	_ =	shalt  }
0x45: {  	_ =	shalt  }
0x46: {  	_ =	shalt  }
0x47: {  	_ =	shalt  }
0x48: {  	_ =	shalt  }
0x49: {  	_ =	shalt  }
0x4a: {  	_ =	shalt  }
0x4b: {  	_ =	shalt  }
0x4c: {  	_ =	shalt  }
0x4d: {  	_ =	shalt  }
0x4e: {  	_ =	shalt  }
0x4f: {  	_ =	shalt  }
0x50: {  	_ =	shalt  }
0x51: {  	_ =	shalt  }
0x52: {  	_ =	shalt  }
0x53: {  	_ =	shalt  }
0x54: {  	_ =	shalt  }
0x55: {  	_ =	shalt  }
0x56: {  	_ =	shalt  }
0x57: {  	_ =	shalt  }
0x58: {  	_ =	shalt  }
0x59: {  	_ =	shalt  }
0x5a: {  	_ =	shalt  }
0x5b: {  	_ =	shalt  }
0x5c: {  	_ =	shalt  }
0x5d: {  	_ =	shalt  }
0x5e: {  	_ =	shalt  }
0x5f: {  	_ =	shalt  }
0x60: {  	_ =	shalt  }
0x61: {  	_ =	shalt  }
0x62: {  	_ =	shalt  }
0x63: {  	_ =	shalt  }
0x64: {  	_ =	shalt  }
0x65: {  	_ =	shalt  }
0x66: {  	_ =	shalt  }
0x67: {  	_ =	shalt  }
0x68: {  	_ =	shalt  }
0x69: {  	_ =	shalt  }
0x6a: {  	_ =	shalt  }
0x6b: {  	_ =	shalt  }
0x6c: {  	_ =	shalt  }
0x6d: {  	_ =	shalt  }
0x6e: {  	_ =	shalt  }
0x6f: {  	_ =	shalt  }
0x70: {  	_ =	shalt  }
0x71: {  	_ =	shalt  }
0x72: {  	_ =	shalt  }
0x73: {  	_ =	shalt  }
0x74: {  	_ =	shalt  }
0x75: {  	_ =	shalt  }
0x76: {  	_ =	shalt  }
0x77: {  	_ =	shalt  }
0x78: {  	_ =	shalt  }
0x79: {  	_ =	shalt  }
0x7a: {  	_ =	shalt  }
0x7b: {  	_ =	shalt  }
0x7c: {  	_ =	shalt  }
0x7d: {  	_ =	shalt  }
0x7e: {  	_ =	shalt  }
0x7f: {  	_ =	shalt  }
0x80: {  	_ =	shalt  }
0x81: {  	_ =	shalt  }
0x82: {  	_ =	shalt  }
0x83: {  	_ =	shalt  }
0x84: {  	_ =	shalt  }
0x85: {  	_ =	shalt  }
0x86: {  	_ =	shalt  }
0x87: {  	_ =	shalt  }
.Lfunc_end0:
.L_simem_size_0:
called_computation_lowered:
.L_overlay_start_0:
0x88: {  	s2 =	sld [smem:$0x3FD9]  }
0x89: {  	s3 =	sld [smem:$0x3FFE];
	_ =	sdelay $0x1  }
0x8a: {  	s1 =	srdreg.scid  }
0x8b: {  	s0 =	sand.u32 $0x1, s1  }
0x8c: {  	s17 =	sshll.u32 s0, $0xA;
	s2 =	sadd.s32 s3, s2  }
0x8d: {  	s2 =	sadd.s32 s2, s17  }
0x8e: {  	[smem:$0x3FB5] =	sst s2  }
0x8f: {  	_ = 	snop  }
0x90: {  	s2 =	sld [smem:$0x3FD0];
	(tm) =	ssettm $0x1  }
0x91: {  	s18 =	sld [smem:$0x3FFB];
	_ =	sdelay $0x3  }
0x92: {  	_ =	strace s18  }
0x93: {  	s3 =	sld [smem:$0x3FFC];
	_ =	sdelay $0x3  }
0x94: {  	_ =	strace s3  }
0x95: {  	s3 =	sld [smem:$0x3FFD];
	_ =	sdelay $0x3  }
0x96: {  	_ =	strace s3  }
0x97: {  	_ =	strace $0x8FFFFFFF  }
0x98: {  	s19 =	sld [smem:$0x3FDB];
	_ =	sdelay $0x1  }
0x99: {  	s4 =	simm.s32 $_scs_section_size  }
0x9a: {  	s5 =	simm.s32 $_size__tile_overlayer_lowered;
	s6 =	simm.s32 $_tile_overlayer_lowered  }
0x9b: {  	s22 =	simm.s32 $0x1BFF;
	s21 =	sshll.u32 s6, $0x1;
	s3 =	sadd.s32 s4, s19  }
0x9c: {  	s7 =	simm.s32 $0x0;
	s20 =	sshll.u32 s5, $0x1;
	s5 =	sadd.s32 s21, s3  }
0x9d: {  	[timem:s7], [sflag:s22] =	dma.local [hbm:s5], s20  }
0x9e: {  	_ =	swait.ge [sflag:s22], s20  }
0x9f: {  	s4 =	ssub.s32 $0x0, s20;
	[sflag:s22] =	ssyncset.done $0x0  }
0xa0: {  	[sflag:s22] =	ssyncadd.s32 s4;
	_ =	sdelay $0x1  }
0xa1: {  	s23 =	simm.s32 $0x1B8B  }
0xa2: {  	_ =	swait.ge [sflag:s23], $0x1  }
0xa3: {  	[sflag:s23] =	ssyncset.done $0x0  }
0xa4: {  	s25 =	simm.s32 $0x1B8E;
	s24 =	sld [smem:$0x3FFE];
	[sflag:s23] =	ssyncadd.s32 $0xFFFFFFFF  }
0xa5: {  	s26 =	simm.s32 $execute0_lowered;
	[smem:$0x3FD2] =	sst s25  }
0xa6: {  	s5 =	sshll.u32 s26, $0x1;
	_ =	strace $0x80000046;
	[dreg:$0x1] =	wrdreg $0xFFFFFFFF  }
0xa7: {  	s28 =	simm.s32 $_size_execute0_lowered;
	s3 =	sadd.s32 s3, s5;
	[dreg:$0x0] =	wrdreg $0x0  }
0xa8: {  	s5 =	sshll.u32 s28, $0x1;
	[dreg:$0x2] =	wrdreg s3  }
0xa9: {  	[dreg:$0x3] =	wrdreg s5  }
0xaa: {  	[dreg:$0x4] =	wrdreg $0xC0  }
0xab: {  	_ =	task [dreg:s7], $0x5FFFF  }
0xac: {  	[dreg:$0x1] =	wrdreg $0xFFFFFFFF  }
0xad: {  	[dreg:$0x0] =	wrdreg $0x60  }
0xae: {  	[dreg:$0x2] =	wrdreg s2  }
0xaf: {  	[dreg:$0x3] =	wrdreg s24  }
0xb0: {  	[dreg:$0x4] =	wrdreg $0x9  }
0xb1: {  	_ =	task.clear_ibuf [dreg:s7], $0x5FFFF;
	_ =	strace $0x90000046  }
0xb2: {  	s29 =	simm.s32 $0x9;
	_ =	strace $0x80000048  }
0xb3: {  	_ =	swait.ge [sflag:s29], $0x1  }
0xb4: {  	[sflag:s29] =	ssyncadd.s32 $0xFFFFFFFF  }
0xb5: {  	_ =	strace $0x90000048  }
0xb6: {  	_ =	sfence  }
0xb7: {  	s30 =	sld [smem:$0x0];
	_ =	sdelay $0x2  }
0xb8: {  	s31 =	sshll.u32 s1, $0xD;
	s1 =	sshrl.u32 s1, $0x2  }
0xb9: {  	s3 =	sand.u32 $0x4000, s31;
	s1 =	sadd.s32 s1, s30  }
0xba: {  	s0 =	sor.u32 s3, s0;
	s1 =	sshll.u32 s1, $0x11  }
0xbb: {  	s0 =	sor.u32 s1, s0  }
0xbc: {  	s0 =	sadd.s32 $0x8F2B, s0  }
0xbd: {  	[sflag:s0] =	ssyncadd.remote.s32 $0x1  }
0xbe: {  	_ =	sfence.sel $0xFFFF  }
0xbf: {  	[dreg:$0x0] =	wrdreg $0xFFFFFFFF;
	(pc) =	sbr.abs _section_cstart, $3  }
0xc0: {  	[dreg:$0x1] =	wrdreg $0xFFFFFFFF  }
0xc1: {  	_ =	task.clear_ibuf [dreg:s7], $0x2FFFF;
	_ =	strace $0x9FFFFFFF  }
0xc2: {  	(tm) =	ssettm $0x7FFFFFFF  }
0xc3: {  	_ =	shalt  }
tec
execute0_lowered:
.L_overlay_start_1:
0x0: {  	(tag) =	ssettag $0x1  }
0x1: {  	s3 =	rddreg [dreg:$0x0]  }
0x2: {  	s1 =	srdreg.scid;
	s0 =	stileid.u32  }
0x3: {  	s24 =	rddreg [dreg:$0x1];
	s28 =	sand.u32 $0x1, s1;
	s4 =	sshll.u32 s0, $0x1  }
0x4: {  	s2 =	simm.s32 $0x0;
	s1 =	rddreg [dreg:$0x2];
	s25 =	sor.u32 s28, s4  }
0x5: {  	[smem:$0x7FF] =	sst s2;
	s5 =	sshll.u32 s25, $0x6  }
0x6: {  	_ =	strace $0x80000047;
	s4 =	sadd.s32 s3, s5;
	s3 =	simm.s32 $0x3  }
0x7: {  	[tilespmem:s2], [sflag:$0x3] =	stream.linear.gather [hbm4b:s4+s2], $0x200, $0x38;
	[tilespmem:$0x4400] =	vst v63  }
0x8: {  	_ =	swait.ge [sflag:s3], $0x200  }
0x9: {  	s5 =	sadd.s32 s5, s24;
	[sflag:s3] =	ssyncset.done $0x0  }
0xa: {  	s6 =	simm.s32 $0x200;
	s5 =	sadd.s32 $0x1C00, s5;
	[sflag:s3] =	ssyncadd.s32 $0xFFFFFE00  }
0xb: {  	[tilespmem:s6], [sflag:$0x3] =	stream.linear.gather [hbm4b:s5+s2], $0x200, $0x38;
	[tilespmem:$0x4400] =	vst v63  }
0xc: {  	_ =	swait.ge [sflag:s3], $0x200  }
0xd: {  	s8 =	simm.s32 $0x80;
	[sflag:s3] =	ssyncset.done $0x0  }
0xe: {  	s9 =	simm.s32 $0x400;
	s7 =	sadd.s32 $0x36400, s24;
	[sflag:s3] =	ssyncadd.s32 $0xFFFFFE00  }
0xf: {  	[tilespmem:s9], [sflag:$0x1] =	stream.indirect.gather [hbm4b:s7+s8], $0x10, s2, s8, $0xb8;
	[tilespmem:$0x4400] =	vst v63  }
0x10: {  	s10 =	simm.s32 $0xC00  }
0x11: {  	[tilespmem:s10], [sflag:$0x1] =	stream.indirect.gather [hbm4b:s7+s8], $0x10, s8, s8, $0xb8;
	[tilespmem:$0x4400] =	vst v63  }
0x12: {  	s11 =	simm.s32 $0x100;
	s12 =	simm.s32 $0x1400  }
0x13: {  	[tilespmem:s12], [sflag:$0x1] =	stream.indirect.gather [hbm4b:s7+s8], $0x10, s11, s8, $0xb8;
	[tilespmem:$0x4400] =	vst v63  }
0x14: {  	s13 =	simm.s32 $0x180;
	s14 =	simm.s32 $0x1C00  }
0x15: {  	[tilespmem:s14], [sflag:$0x1] =	stream.indirect.gather [hbm4b:s7+s8], $0x10, s13, s8, $0xb8;
	[tilespmem:$0x4400] =	vst v63  }
0x16: {  	s16 =	simm.s32 $0x2400;
	s15 =	sadd.s32 $0x2400, s24  }
0x17: {  	[tilespmem:s16], [sflag:$0x2] =	stream.indirect.gather [hbm4b:s15+s8], $0x10, s6, s8, $0xb8;
	[tilespmem:$0x4400] =	vst v63  }
0x18: {  	s17 =	simm.s32 $0x280;
	s18 =	simm.s32 $0x2C00  }
0x19: {  	[tilespmem:s18], [sflag:$0x2] =	stream.indirect.gather [hbm4b:s15+s8], $0x10, s17, s8, $0xb8;
	[tilespmem:$0x4400] =	vst v63  }
0x1a: {  	s19 =	simm.s32 $0x300;
	s20 =	simm.s32 $0x3400  }
0x1b: {  	[tilespmem:s20], [sflag:$0x2] =	stream.indirect.gather [hbm4b:s15+s8], $0x10, s19, s8, $0xb8;
	[tilespmem:$0x4400] =	vst v63  }
0x1c: {  	s21 =	simm.s32 $0x380;
	s22 =	simm.s32 $0x3C00;
	s23 =	simm.s32 $0x1  }
0x1d: {  	[tilespmem:s22], [sflag:$0x2] =	stream.indirect.gather [hbm4b:s15+s8], $0x10, s21, s8, $0xb8;
	[tilespmem:$0x4400] =	vst v63  }
0x1e: {  	_ =	swait.ge [sflag:s23], $0x800  }
0x1f: {  	[sflag:s23] =	ssyncset.done $0x0  }
0x20: {  	[sflag:s23] =	ssyncadd.s32 $0xFFFFF800  }
0x21: {  	_ =	swait.ge [sflag:s23], $0x800  }
0x22: {  	[sflag:s23] =	ssyncset.done $0x0  }
0x23: {  	[sflag:s23] =	ssyncadd.s32 $0xFFFFF800  }
0x24: {  	_ =	swait.ge [sflag:s23], $0x800  }
0x25: {  	s25 =	sshll.u32 s25, $0xD;
	[sflag:s23] =	ssyncset.done $0x0  }
0x26: {  	s25 =	sor.u32 s0, s25;
	[sflag:s23] =	ssyncadd.s32 $0xFFFFF800  }
0x27: {  	s25 =	sand.u32 $0x600E, s25;
	_ =	swait.ge [sflag:s23], $0x800  }
0x28: {  	s29 =	sadd.s32 s25, s24;
	[sflag:s23] =	ssyncset.done $0x0  }
0x29: {  	s25 =	simm.s32 $0x10;
	s24 =	sadd.s32 $0x6A400, s29;
	[sflag:s23] =	ssyncadd.s32 $0xFFFFF800  }
0x2a: {  	[hbm4b:s24+s25] =	stream.strided.scatter [tilespmem:s9], [sflag:$0x3], $0x2000, s8, s25, $0x38;
	[tilespmem:$0x4400] =	vst v63  }
0x2b: {  	_ =	swait.ge [sflag:s3], $0x2000  }
0x2c: {  	[sflag:s3] =	ssyncset.done $0x0  }
0x2d: {  	s26 =	simm.s32 $0x2;
	[sflag:s3] =	ssyncadd.s32 $0xFFFFE000  }
0x2e: {  	_ =	swait.ge [sflag:s26], $0x800  }
0x2f: {  	[sflag:s26] =	ssyncset.done $0x0  }
0x30: {  	[sflag:s26] =	ssyncadd.s32 $0xFFFFF800  }
0x31: {  	_ =	swait.ge [sflag:s26], $0x800  }
0x32: {  	[sflag:s26] =	ssyncset.done $0x0  }
0x33: {  	s28 =	ssub.s32 $0x2, s28;
	[sflag:s26] =	ssyncadd.s32 $0xFFFFF800  }
0x34: {  	s30 =	sshrl.u32 s28, $0x1;
	_ =	swait.ge [sflag:s26], $0x800  }
0x35: {  	s30 =	ssub.s32 s28, s30;
	[sflag:s26] =	ssyncset.done $0x0  }
0x36: {  	s28 =	sadd.s32 $0x72400, s29;
	s29 =	smax.u32 s30, $0x1;
	[sflag:s26] =	ssyncadd.s32 $0xFFFFF800  }
0x37: {  	p0 =	sne.s32 s29, $0x1;
	_ =	swait.ge [sflag:s26], $0x800  }
.Ltmp0:
0x38: {  	[sflag:s26] =	ssyncset.done $0x0;
	(pc) =	sbr.rel @!p0 .LBB2_2-.Ltmp0, $4  }
0x39: {  	[sflag:s26] =	ssyncadd.s32 $0xFFFFF800  }
0x3a: {  	[hbm4b:s28+s25] =	stream.strided.scatter [tilespmem:s16], [sflag:$0x3], $0x2000, s8, s25, $0x38;
	[tilespmem:$0x4400] =	vst v63  }
0x3b: {  	_ =	swait.ge [sflag:s3], $0x2000  }
0x3c: {  	s29 =	sadd.s32 $0xFFFFFFFF, s29;
	[sflag:s3] =	ssyncset.done $0x0  }
.LBB2_1:
0x3d: {  	p0 =	sne.s32 s29, $0x1;
	s29 =	sadd.s32 $0xFFFFFFFF, s29;
	[sflag:s3] =	ssyncadd.s32 $0xFFFFE000  }
0x3e: {  	[tilespmem:s2], [sflag:$0x3] =	stream.linear.gather [hbm4b:s4+s2], $0x200, $0x38;
	[tilespmem:$0x4400] =	vst v63  }
0x3f: {  	_ =	swait.ge [sflag:s3], $0x200  }
0x40: {  	[sflag:s3] =	ssyncset.done $0x0  }
0x41: {  	[sflag:s3] =	ssyncadd.s32 $0xFFFFFE00  }
0x42: {  	[tilespmem:s6], [sflag:$0x3] =	stream.linear.gather [hbm4b:s5+s2], $0x200, $0x38;
	[tilespmem:$0x4400] =	vst v63  }
0x43: {  	_ =	swait.ge [sflag:s3], $0x200  }
0x44: {  	[sflag:s3] =	ssyncset.done $0x0  }
0x45: {  	[sflag:s3] =	ssyncadd.s32 $0xFFFFFE00  }
0x46: {  	[tilespmem:s9], [sflag:$0x1] =	stream.indirect.gather [hbm4b:s7+s8], $0x10, s2, s8, $0xb8;
	[tilespmem:$0x4400] =	vst v63  }
0x47: {  	_ = 	snop  }
0x48: {  	[tilespmem:s10], [sflag:$0x1] =	stream.indirect.gather [hbm4b:s7+s8], $0x10, s8, s8, $0xb8;
	[tilespmem:$0x4400] =	vst v63  }
0x49: {  	_ = 	snop  }
0x4a: {  	[tilespmem:s12], [sflag:$0x1] =	stream.indirect.gather [hbm4b:s7+s8], $0x10, s11, s8, $0xb8;
	[tilespmem:$0x4400] =	vst v63  }
0x4b: {  	_ = 	snop  }
0x4c: {  	[tilespmem:s14], [sflag:$0x1] =	stream.indirect.gather [hbm4b:s7+s8], $0x10, s13, s8, $0xb8;
	[tilespmem:$0x4400] =	vst v63  }
0x4d: {  	_ = 	snop  }
0x4e: {  	[tilespmem:s16], [sflag:$0x2] =	stream.indirect.gather [hbm4b:s15+s8], $0x10, s6, s8, $0xb8;
	[tilespmem:$0x4400] =	vst v63  }
0x4f: {  	_ = 	snop  }
0x50: {  	[tilespmem:s18], [sflag:$0x2] =	stream.indirect.gather [hbm4b:s15+s8], $0x10, s17, s8, $0xb8;
	[tilespmem:$0x4400] =	vst v63  }
0x51: {  	_ = 	snop  }
0x52: {  	[tilespmem:s20], [sflag:$0x2] =	stream.indirect.gather [hbm4b:s15+s8], $0x10, s19, s8, $0xb8;
	[tilespmem:$0x4400] =	vst v63  }
0x53: {  	_ = 	snop  }
0x54: {  	[tilespmem:s22], [sflag:$0x2] =	stream.indirect.gather [hbm4b:s15+s8], $0x10, s21, s8, $0xb8;
	[tilespmem:$0x4400] =	vst v63  }
0x55: {  	_ =	swait.ge [sflag:s23], $0x800  }
0x56: {  	[sflag:s23] =	ssyncset.done $0x0  }
0x57: {  	[sflag:s23] =	ssyncadd.s32 $0xFFFFF800  }
0x58: {  	_ =	swait.ge [sflag:s23], $0x800  }
0x59: {  	[sflag:s23] =	ssyncset.done $0x0  }
0x5a: {  	[sflag:s23] =	ssyncadd.s32 $0xFFFFF800  }
0x5b: {  	_ =	swait.ge [sflag:s23], $0x800  }
0x5c: {  	[sflag:s23] =	ssyncset.done $0x0  }
0x5d: {  	[sflag:s23] =	ssyncadd.s32 $0xFFFFF800  }
0x5e: {  	_ =	swait.ge [sflag:s23], $0x800  }
0x5f: {  	[sflag:s23] =	ssyncset.done $0x0  }
0x60: {  	[sflag:s23] =	ssyncadd.s32 $0xFFFFF800  }
0x61: {  	[hbm4b:s24+s25] =	stream.strided.scatter [tilespmem:s9], [sflag:$0x3], $0x2000, s8, s25, $0x38;
	[tilespmem:$0x4400] =	vst v63  }
0x62: {  	_ =	swait.ge [sflag:s3], $0x2000  }
0x63: {  	[sflag:s3] =	ssyncset.done $0x0  }
0x64: {  	[sflag:s3] =	ssyncadd.s32 $0xFFFFE000  }
0x65: {  	_ =	swait.ge [sflag:s26], $0x800  }
0x66: {  	[sflag:s26] =	ssyncset.done $0x0  }
0x67: {  	[sflag:s26] =	ssyncadd.s32 $0xFFFFF800  }
0x68: {  	_ =	swait.ge [sflag:s26], $0x800  }
0x69: {  	[sflag:s26] =	ssyncset.done $0x0  }
0x6a: {  	[sflag:s26] =	ssyncadd.s32 $0xFFFFF800  }
0x6b: {  	_ =	swait.ge [sflag:s26], $0x800  }
0x6c: {  	[sflag:s26] =	ssyncset.done $0x0  }
0x6d: {  	[sflag:s26] =	ssyncadd.s32 $0xFFFFF800  }
0x6e: {  	_ =	swait.ge [sflag:s26], $0x800  }
.Ltmp1:
0x6f: {  	[sflag:s26] =	ssyncset.done $0x0;
	(pc) =	sbr.rel @p0 .LBB2_1-.Ltmp1, $4  }
0x70: {  	[sflag:s26] =	ssyncadd.s32 $0xFFFFF800  }
0x71: {  	[hbm4b:s28+s25] =	stream.strided.scatter [tilespmem:s16], [sflag:$0x3], $0x2000, s8, s25, $0x38;
	[tilespmem:$0x4400] =	vst v63  }
0x72: {  	_ =	swait.ge [sflag:s3], $0x2000  }
0x73: {  	[sflag:s3] =	ssyncset.done $0x0  }
.LBB2_2:
0x74: {  	[sflag:s3] =	ssyncadd.s32 $0xFFFFE000  }
0x75: {  	_ =	sfence.sel $0x180000  }
0x76: {  	[bflag:$0x0] =	sbarrier.arrive $0xFFFF  }
0x77: {  	p0 =	sne.s32 s0, $0x0;
	_ =	strace $0x90000047  }
0x78: {  	s0 =	sadd.s32 @!p0 $0x100000, s1;
	[bflag:$0x2] =	sbarrier.arrive $0xFFFF  }
0x79: {  	[sflag:s0] =	ssyncadd.tile.s32 @!p0 $0x1;
	_ =	shalt  }
.Lfunc_end2:
_tile_overlayer_lowered:
.L_overlay_start_2:
0x7a: {  	(tag) =	ssettag $0x2  }
0x7b: {  	s0 =	rddreg [dreg:$0x0];
	s2 =	stileid.u32  }
0x7c: {  	s1 =	rddreg [dreg:$0x1];
	p0 =	sne.s32 s2, $0x0  }
0x7d: {  	s3 =	rddreg [dreg:$0x2];
	[bflag:$0x3] =	sbarrier.arrive $0xFFFF;
	s2 =	simm.s32 @!p0 $0x1C03  }
0x7e: {  	[timem:s3], [sflag:s2] =	dma.local @!p0 [hbm:s0], s1  }
0x7f: {  	s0 =	simm.s32 @!p0 $0x3  }
0x80: {  	_ =	swait.ge @!p0 [sflag:s0], s1  }
0x81: {  	s1 =	ssub.s32 @!p0 $0x0, s1;
	[sflag:s0] =	ssyncset.done @!p0 $0x0  }
0x82: {  	[sflag:s0] =	ssyncadd.s32 @!p0 s1  }
0x83: {  	[bflag:$0x3] =	sbarrier.arrive $0xFFFF  }
0x84: {  	_ =	shalt  }

</sc_bundles>
